<compile_context>
chip_gen: v7x
topology: tpu7x:2x2x1
jax: 0.10.2.dev20260603
libtpu: 0.0.44.dev20260713+nightly
codegen_flags: <defaults>
</compile_context>

<pallas_src>
import functools

import jax
import jax.numpy as jnp
from jax import lax
from jax.experimental import pallas as pl
from jax.experimental.pallas import tpu as pltpu
from jax.experimental.pallas import tpu_sc as plsc

B = 16384
F = 26
VOCAB = 100000
D = 16

NC = 2
NS = 16
NW = NC * NS
SAMP = B // NW
PIECE = 128
CH = 128
NCHUNK = SAMP // CH
PIECES_PER_CHUNK = CH * F // PIECE
PIECES_PER_WORKER = SAMP * F // PIECE
ROWS_PER_CHUNK = CH * F


def _floop(n, body):
    lax.fori_loop(0, n, lambda i, c: (body(i), c)[1], None)


def _sc_fm_tvec(idx3, table):
    mesh = plsc.VectorSubcoreMesh(core_axis_name="c", subcore_axis_name="s")

    @functools.partial(
        pl.kernel,
        mesh=mesh,
        compiler_params=pltpu.CompilerParams(use_tc_tiling_on_sc=False),
        out_type=jax.ShapeDtypeStruct((B, D), jnp.float32),
        scratch_types=[
            pltpu.VMEM((PIECES_PER_WORKER, PIECE), jnp.int32),
            pltpu.VMEM((ROWS_PER_CHUNK, D), jnp.float32),
            pltpu.VMEM((SAMP, D), jnp.float32),
            pltpu.SemaphoreType.DMA,
        ],
    )
    def k(idx_hbm, table_hbm, out_hbm, idx_v, rows_v, out_v, sem):
        wid = lax.axis_index("s") * NC + lax.axis_index("c")
        iota = lax.iota(jnp.int32, 16)

        pltpu.sync_copy(idx_hbm.at[pl.ds(wid * PIECES_PER_WORKER,
                                         PIECES_PER_WORKER)], idx_v)

        def off_row(r):
            for kk in range(PIECE // 16):
                col = kk * 16
                pos = iota + (r * PIECE + col)
                f = lax.rem(pos, F)
                idx_v[r, pl.ds(col, 16)] = (idx_v[r, pl.ds(col, 16)]
                                            + f * VOCAB)
        _floop(PIECES_PER_WORKER, off_row)

        def chunk(c):
            pbase = c * PIECES_PER_CHUNK

            def fire(p):
                pltpu.make_async_copy(
                    table_hbm.at[idx_v.at[pbase + p]],
                    rows_v.at[pl.ds(p * PIECE, PIECE)],
                    sem,
                ).start()
            _floop(PIECES_PER_CHUNK, fire)

            def drain(p):
                pltpu.make_async_copy(
                    table_hbm.at[idx_v.at[pbase + p]],
                    rows_v.at[pl.ds(p * PIECE, PIECE)],
                    sem,
                ).wait()
            _floop(PIECES_PER_CHUNK, drain)

            def sample(s):
                base = s * F
                r0 = rows_v[base, :]
                acc = r0
                sumsq = r0 * r0
                for f in range(1, F):
                    r = rows_v[base + f, :]
                    acc = acc + r
                    sumsq = sumsq + r * r
                out_v[c * CH + s, :] = 0.5 * (acc * acc - sumsq)
            _floop(CH, sample)
        _floop(NCHUNK, chunk)

        pltpu.sync_copy(out_v, out_hbm.at[pl.ds(wid * SAMP, SAMP)])

    return k(idx3, table)


def _head(t_ref, label_ref, y_ref, loss_ref):
    x = t_ref[...]
    sel = (jnp.arange(128, dtype=jnp.int32)[:, None] // D
           == jnp.arange(8, dtype=jnp.int32)[None, :]).astype(jnp.float32)
    logit = jnp.dot(x, sel, preferred_element_type=jnp.float32)
    y = 1.0 / (1.0 + jnp.exp(-logit))
    y_ref[...] = y
    eps = 1e-7
    p = jnp.clip(y, eps, 1.0 - eps)
    lab = label_ref[...]
    terms = lab * jnp.log(p) + (1.0 - lab) * jnp.log(1.0 - p)
    loss_ref[0, 0] = -jnp.sum(terms) / B


def _tc_head(tvec, label):
    y2, loss2 = pl.pallas_call(
        _head,
        out_shape=[
            jax.ShapeDtypeStruct((B // 8, 8), jnp.float32),
            jax.ShapeDtypeStruct((1, 1), jnp.float32),
        ],
        out_specs=[
            pl.BlockSpec(memory_space=pltpu.VMEM),
            pl.BlockSpec(memory_space=pltpu.SMEM),
        ],
    )(tvec.reshape(B // 8, 8 * D), label.reshape(B // 8, 8))
    return y2, loss2


_N = F * VOCAB
_CC = 1024
_NFULL = _N // _CC
_NMAX = -(-_NFULL // NW)


def _sc_transpose(tableT, tail_pad):
    mesh = plsc.VectorSubcoreMesh(core_axis_name="c", subcore_axis_name="s")

    @functools.partial(
        pl.kernel,
        mesh=mesh,
        compiler_params=pltpu.CompilerParams(use_tc_tiling_on_sc=True,
                                             needs_layout_passes=False),
        out_type=jax.ShapeDtypeStruct((_N * D,), jnp.float32),
        scratch_types=[
            pltpu.VMEM((D, _CC + 81), jnp.float32),
            pltpu.VMEM((D, _CC + 81), jnp.float32),
            pltpu.VMEM((_CC * D,), jnp.float32),
            pltpu.VMEM((_CC * D,), jnp.float32),
            pltpu.SemaphoreType.DMA,
            pltpu.SemaphoreType.DMA,
            pltpu.SemaphoreType.DMA,
            pltpu.SemaphoreType.DMA,
        ],
    )
    def k(tt_hbm, tail_hbm, out_hbm, in0, in1, ob0, ob1,
          rs0, rs1, ws0, ws1):
        wid = lax.axis_index("s") * NC + lax.axis_index("c")
        iota = lax.iota(jnp.int32, 16)
        sidx = [iota * D + d for d in range(D)]
        ins, obs = (in0, in1), (ob0, ob1)
        rsems, wsems = (rs0, rs1), (ws0, ws1)

        def cid(i):
            return i * NW + wid

        def rd(i, b):
            return pltpu.make_async_copy(
                tt_hbm.at[:, pl.ds(cid(i) * _CC, _CC)],
                ins[b].at[:, pl.ds(0, _CC)], rsems[b])

        def wr(i, b):
            return pltpu.make_async_copy(
                obs[b], out_hbm.at[pl.ds(cid(i) * _CC * D, _CC * D)],
                wsems[b])

        def transpose_grps(in_v, out_v, ngrp):
            def colgrp(g):
                sub = out_v.at[pl.ds(g * 16 * D, 16 * D)]
                for d in range(D):
                    v = in_v[d, pl.ds(g * 16, 16)]
                    plsc.store_scatter(sub, [sidx[d]], v)
            lax.fori_loop(0, ngrp, lambda g, c: (colgrp(g), c)[1], None)

        for b in range(2):
            @pl.when(cid(b) < _NFULL)
            def _():
                rd(b, b).start()

        def body(j):
            for b in range(2):
                i = 2 * j + b

                @pl.when((i >= 2) & (cid(i - 2) < _NFULL))
                def _():
                    wr(i - 2, b).wait()

                @pl.when(cid(i) < _NFULL)
                def _():
                    rd(i, b).wait()
                    transpose_grps(ins[b], obs[b], _CC // 16)
                    wr(i, b).start()

                @pl.when(cid(i + 2) < _NFULL)
                def _():
                    rd(i + 2, b).start()
        lax.fori_loop(0, _NMAX // 2, lambda j, c: (body(j), c)[1], None)

        for b in range(2):
            i = _NMAX - 2 + b

            @pl.when(cid(i) < _NFULL)
            def _():
                wr(i, b).wait()

        @pl.when(wid == NW - 1)
        def _tail():
            pltpu.sync_copy(tail_hbm, in0.at[:, pl.ds(0, 128)])
            transpose_grps(in0, ob0, 4)
            pltpu.sync_copy(ob0.at[pl.ds(0, 64 * D)],
                            out_hbm.at[pl.ds((_N - 64) * D, 64 * D)])

    return k(tableT, tail_pad)


def kernel(indices, label, table):
    idx3 = indices.astype(jnp.int32).reshape(B * F // PIECE, PIECE)
    tableT = table.T
    tail_pad = jnp.pad(tableT[:, _N - 64:], ((0, 0), (0, 64)))
    table_rm = _sc_transpose(tableT, tail_pad).reshape(F * VOCAB, D)
    tvec = _sc_fm_tvec(idx3, table_rm)
    y2, loss2 = _tc_head(tvec, label)
    return y2.reshape(B, 1), loss2[0, 0]

# --- scband reference (transcript-rebuilt; emitter-appended) ---
"""Pipeline reference for scband-fm-48223892799615 (READ-ONLY COPY).

The authoritative reference and input builder live on the scoring server;
editing this copy changes nothing except your own understanding.
"""

import jax, jax.numpy as jnp
import numpy as np

B = 16384
F = 26
VOCAB = 100000
D = 16

def setup_inputs(seed: int = 0) -> dict:
    key = jax.random.key(seed)
    k1, k2, k3 = jax.random.split(key, 3)
    indices = jax.random.randint(k1, (B, F), 0, VOCAB)
    label = jax.random.uniform(k2, (B,), dtype=jnp.float32)
    # one big concatenated embedding table for all 26 fields (each vocab=100000)
    table = jax.random.normal(k3, (F * VOCAB, D), dtype=jnp.float32) * 0.01
    return {"indices": indices, "label": label, "table": table}

def reference(indices, label, table):
    # EmbeddingLayer: per-field embedding lookup into the concatenated table
    offsets = (jnp.arange(F) * VOCAB).astype(indices.dtype)
    flat_idx = indices + offsets[None, :]
    feature_emb = jnp.take(table, flat_idx, axis=0)  # [B, F, D]
    # FM_Layer: pairwise interaction via sum-square minus square-sum identity
    sum_emb = jnp.sum(feature_emb, axis=1)            # [B, D]
    sum_sq = jnp.sum(feature_emb * feature_emb, axis=1)  # [B, D]
    logit = 0.5 * jnp.sum(sum_emb * sum_emb - sum_sq, axis=-1, keepdims=True)  # [B, 1]
    y_pred = jax.nn.sigmoid(logit)
    # BCELoss (mean reduction)
    eps = 1e-7
    p = jnp.clip(jnp.squeeze(y_pred, -1), eps, 1.0 - eps)
    loss = -jnp.mean(label * jnp.log(p) + (1.0 - label) * jnp.log(1.0 - p))
    return y_pred, loss

if __name__ == "__main__":
    import jax
    _d = setup_inputs()
    print(jax.jit(kernel)(*tuple(_d.values())))

</pallas_src>

<mosaic_0001>
#map = affine_map<(d0, d1) -> (0, 0)>
#map1 = affine_map<(d0, d1) -> (0)>
module attributes {stable_mosaic.version = 14 : i64} {
  func.func @k(%arg0: i32, %arg1: i32, %arg2: memref<16x2600000xf32, #tpu.memory_space<hbm>>, %arg3: memref<16x128xf32, #tpu.memory_space<hbm>>, %arg4: memref<41600000xf32, #tpu.memory_space<hbm>>, %arg5: memref<16x1105xf32, #tpu.memory_space<vmem>>, %arg6: memref<16x1105xf32, #tpu.memory_space<vmem>>, %arg7: memref<16384xf32, #tpu.memory_space<vmem>>, %arg8: memref<16384xf32, #tpu.memory_space<vmem>>, %arg9: memref<!tpu.dma_semaphore, #tpu.memory_space<semaphore_mem>>, %arg10: memref<!tpu.dma_semaphore, #tpu.memory_space<semaphore_mem>>, %arg11: memref<!tpu.dma_semaphore, #tpu.memory_space<semaphore_mem>>, %arg12: memref<!tpu.dma_semaphore, #tpu.memory_space<semaphore_mem>>) attributes {dimension_semantics = [#tpu.dimension_semantics<core_parallel>, #tpu.dimension_semantics<subcore_parallel>], iteration_bounds = array<i64: 2, 16>, scalar_prefetch = 0 : i64, scratch_operands = 8 : i64, tpu.core_type = #tpu.core_type<sc_vector_subcore>, window_params = [{transform_indices = #map}, {transform_indices = #map}, {transform_indices = #map1}]} {
    %mul3A = arith.constant 2 : i32
    %mul3A_0 = arith.muli %arg1, %mul3A : i32
    %add3A = arith.addi %mul3A_0, %arg0 : i32
    %iota3A = tpu.iota {dimensions = array<i32: 0>} : vector<16xi32>
    %mul3A_1 = arith.constant 16 : i32
    %mul3A_2 = vector.broadcast %mul3A_1 : i32 to vector<16xi32>
    %mul3A_3 = arith.muli %iota3A, %mul3A_2 : vector<16xi32>
    %add3A_4 = arith.constant 0 : i32
    %add3A_5 = vector.broadcast %add3A_4 : i32 to vector<16xi32>
    %add3A_6 = arith.addi %mul3A_3, %add3A_5 : vector<16xi32>
    %mul3A_7 = arith.constant 16 : i32
    %mul3A_8 = vector.broadcast %mul3A_7 : i32 to vector<16xi32>
    %mul3A_9 = arith.muli %iota3A, %mul3A_8 : vector<16xi32>
    %add3A_10 = arith.constant 1 : i32
    %add3A_11 = vector.broadcast %add3A_10 : i32 to vector<16xi32>
    %add3A_12 = arith.addi %mul3A_9, %add3A_11 : vector<16xi32>
    %mul3A_13 = arith.constant 16 : i32
    %mul3A_14 = vector.broadcast %mul3A_13 : i32 to vector<16xi32>
    %mul3A_15 = arith.muli %iota3A, %mul3A_14 : vector<16xi32>
    %add3A_16 = arith.constant 2 : i32
    %add3A_17 = vector.broadcast %add3A_16 : i32 to vector<16xi32>
    %add3A_18 = arith.addi %mul3A_15, %add3A_17 : vector<16xi32>
    %mul3A_19 = arith.constant 16 : i32
    %mul3A_20 = vector.broadcast %mul3A_19 : i32 to vector<16xi32>
    %mul3A_21 = arith.muli %iota3A, %mul3A_20 : vector<16xi32>
    %add3A_22 = arith.constant 3 : i32
    %add3A_23 = vector.broadcast %add3A_22 : i32 to vector<16xi32>
    %add3A_24 = arith.addi %mul3A_21, %add3A_23 : vector<16xi32>
    %mul3A_25 = arith.constant 16 : i32
    %mul3A_26 = vector.broadcast %mul3A_25 : i32 to vector<16xi32>
    %mul3A_27 = arith.muli %iota3A, %mul3A_26 : vector<16xi32>
    %add3A_28 = arith.constant 4 : i32
    %add3A_29 = vector.broadcast %add3A_28 : i32 to vector<16xi32>
    %add3A_30 = arith.addi %mul3A_27, %add3A_29 : vector<16xi32>
    %mul3A_31 = arith.constant 16 : i32
    %mul3A_32 = vector.broadcast %mul3A_31 : i32 to vector<16xi32>
    %mul3A_33 = arith.muli %iota3A, %mul3A_32 : vector<16xi32>
    %add3A_34 = arith.constant 5 : i32
    %add3A_35 = vector.broadcast %add3A_34 : i32 to vector<16xi32>
    %add3A_36 = arith.addi %mul3A_33, %add3A_35 : vector<16xi32>
    %mul3A_37 = arith.constant 16 : i32
    %mul3A_38 = vector.broadcast %mul3A_37 : i32 to vector<16xi32>
    %mul3A_39 = arith.muli %iota3A, %mul3A_38 : vector<16xi32>
    %add3A_40 = arith.constant 6 : i32
    %add3A_41 = vector.broadcast %add3A_40 : i32 to vector<16xi32>
    %add3A_42 = arith.addi %mul3A_39, %add3A_41 : vector<16xi32>
    %mul3A_43 = arith.constant 16 : i32
    %mul3A_44 = vector.broadcast %mul3A_43 : i32 to vector<16xi32>
    %mul3A_45 = arith.muli %iota3A, %mul3A_44 : vector<16xi32>
    %add3A_46 = arith.constant 7 : i32
    %add3A_47 = vector.broadcast %add3A_46 : i32 to vector<16xi32>
    %add3A_48 = arith.addi %mul3A_45, %add3A_47 : vector<16xi32>
    %mul3A_49 = arith.constant 16 : i32
    %mul3A_50 = vector.broadcast %mul3A_49 : i32 to vector<16xi32>
    %mul3A_51 = arith.muli %iota3A, %mul3A_50 : vector<16xi32>
    %add3A_52 = arith.constant 8 : i32
    %add3A_53 = vector.broadcast %add3A_52 : i32 to vector<16xi32>
    %add3A_54 = arith.addi %mul3A_51, %add3A_53 : vector<16xi32>
    %mul3A_55 = arith.constant 16 : i32
    %mul3A_56 = vector.broadcast %mul3A_55 : i32 to vector<16xi32>
    %mul3A_57 = arith.muli %iota3A, %mul3A_56 : vector<16xi32>
    %add3A_58 = arith.constant 9 : i32
    %add3A_59 = vector.broadcast %add3A_58 : i32 to vector<16xi32>
    %add3A_60 = arith.addi %mul3A_57, %add3A_59 : vector<16xi32>
    %mul3A_61 = arith.constant 16 : i32
    %mul3A_62 = vector.broadcast %mul3A_61 : i32 to vector<16xi32>
    %mul3A_63 = arith.muli %iota3A, %mul3A_62 : vector<16xi32>
    %add3A_64 = arith.constant 10 : i32
    %add3A_65 = vector.broadcast %add3A_64 : i32 to vector<16xi32>
    %add3A_66 = arith.addi %mul3A_63, %add3A_65 : vector<16xi32>
    %mul3A_67 = arith.constant 16 : i32
    %mul3A_68 = vector.broadcast %mul3A_67 : i32 to vector<16xi32>
    %mul3A_69 = arith.muli %iota3A, %mul3A_68 : vector<16xi32>
    %add3A_70 = arith.constant 11 : i32
    %add3A_71 = vector.broadcast %add3A_70 : i32 to vector<16xi32>
    %add3A_72 = arith.addi %mul3A_69, %add3A_71 : vector<16xi32>
    %mul3A_73 = arith.constant 16 : i32
    %mul3A_74 = vector.broadcast %mul3A_73 : i32 to vector<16xi32>
    %mul3A_75 = arith.muli %iota3A, %mul3A_74 : vector<16xi32>
    %add3A_76 = arith.constant 12 : i32
    %add3A_77 = vector.broadcast %add3A_76 : i32 to vector<16xi32>
    %add3A_78 = arith.addi %mul3A_75, %add3A_77 : vector<16xi32>
    %mul3A_79 = arith.constant 16 : i32
    %mul3A_80 = vector.broadcast %mul3A_79 : i32 to vector<16xi32>
    %mul3A_81 = arith.muli %iota3A, %mul3A_80 : vector<16xi32>
    %add3A_82 = arith.constant 13 : i32
    %add3A_83 = vector.broadcast %add3A_82 : i32 to vector<16xi32>
    %add3A_84 = arith.addi %mul3A_81, %add3A_83 : vector<16xi32>
    %mul3A_85 = arith.constant 16 : i32
    %mul3A_86 = vector.broadcast %mul3A_85 : i32 to vector<16xi32>
    %mul3A_87 = arith.muli %iota3A, %mul3A_86 : vector<16xi32>
    %add3A_88 = arith.constant 14 : i32
    %add3A_89 = vector.broadcast %add3A_88 : i32 to vector<16xi32>
    %add3A_90 = arith.addi %mul3A_87, %add3A_89 : vector<16xi32>
    %mul3A_91 = arith.constant 16 : i32
    %mul3A_92 = vector.broadcast %mul3A_91 : i32 to vector<16xi32>
    %mul3A_93 = arith.muli %iota3A, %mul3A_92 : vector<16xi32>
    %add3A_94 = arith.constant 15 : i32
    %add3A_95 = vector.broadcast %add3A_94 : i32 to vector<16xi32>
    %add3A_96 = arith.addi %mul3A_93, %add3A_95 : vector<16xi32>
    %add3A_97 = arith.constant 0 : i32
    %add3A_98 = arith.addi %add3A_97, %add3A : i32
    %lt3A = arith.constant 2539 : i32
    %lt3A_99 = arith.cmpi slt, %add3A_98, %lt3A : i32
    %convert_element_type3A = arith.extui %lt3A_99 : i1 to i32
    %cond3A = arith.constant 0 : i32
    %cond3A_100 = arith.cmpi ne, %convert_element_type3A, %cond3A : i32
    scf.if %cond3A_100 {
      %add3A_130 = arith.constant 0 : i32
      %add3A_131 = arith.addi %add3A_130, %add3A : i32
      %mul3A_132 = arith.constant 1024 : i32
      %mul3A_133 = arith.muli %add3A_131, %mul3A_132 : i32
      %dma_start3A = arith.constant 0 : i32
      %dma_start3A_134 = arith.constant 0 : i32
      %dma_start3A_135 = tpu.memref_slice %arg5[%dma_start3A, %dma_start3A_134] : memref<16x1105xf32, #tpu.memory_space<vmem>> -> memref<16x1024xf32, #tpu.memory_space<vmem>>
      %dma_start3A_136 = arith.constant 0 : i32
      %dma_start3A_137 = tpu.memref_slice %arg2[%dma_start3A_136, %mul3A_133] : memref<16x2600000xf32, #tpu.memory_space<hbm>> -> memref<16x1024xf32, #tpu.memory_space<hbm>>
      %dma_start3A_138 = arith.constant 0 : i32
      %dma_start3A_139 = arith.constant 0 : i32
      %dma_start3A_140 = tpu.memref_slice %arg5[%dma_start3A_138, %dma_start3A_139] : memref<16x1105xf32, #tpu.memory_space<vmem>> -> memref<16x1024xf32, #tpu.memory_space<vmem>>
      %dma_start3A_141 = arith.constant 0 : i32
      %dma_start3A_142 = tpu.memref_slice %arg2[%dma_start3A_141, %mul3A_133] : memref<16x2600000xf32, #tpu.memory_space<hbm>> -> memref<16x1024xf32, #tpu.memory_space<hbm>>
      tpu.enqueue_dma source(%dma_start3A_142 : memref<16x1024xf32, #tpu.memory_space<hbm>>) target(%dma_start3A_140 : memref<16x1024xf32, #tpu.memory_space<vmem>>) target_semaphore(%arg9 : memref<!tpu.dma_semaphore, #tpu.memory_space<semaphore_mem>>)
    } else {
    }
    %add3A_101 = arith.constant 32 : i32
    %add3A_102 = arith.addi %add3A_101, %add3A : i32
    %lt3A_103 = arith.constant 2539 : i32
    %lt3A_104 = arith.cmpi slt, %add3A_102, %lt3A_103 : i32
    %convert_element_type3A_105 = arith.extui %lt3A_104 : i1 to i32
    %cond3A_106 = arith.constant 0 : i32
    %cond3A_107 = arith.cmpi ne, %convert_element_type3A_105, %cond3A_106 : i32
    scf.if %cond3A_107 {
      %add3A_130 = arith.constant 32 : i32
      %add3A_131 = arith.addi %add3A_130, %add3A : i32
      %mul3A_132 = arith.constant 1024 : i32
      %mul3A_133 = arith.muli %add3A_131, %mul3A_132 : i32
      %dma_start3A = arith.constant 0 : i32
      %dma_start3A_134 = arith.constant 0 : i32
      %dma_start3A_135 = tpu.memref_slice %arg6[%dma_start3A, %dma_start3A_134] : memref<16x1105xf32, #tpu.memory_space<vmem>> -> memref<16x1024xf32, #tpu.memory_space<vmem>>
      %dma_start3A_136 = arith.constant 0 : i32
      %dma_start3A_137 = tpu.memref_slice %arg2[%dma_start3A_136, %mul3A_133] : memref<16x2600000xf32, #tpu.memory_space<hbm>> -> memref<16x1024xf32, #tpu.memory_space<hbm>>
      %dma_start3A_138 = arith.constant 0 : i32
      %dma_start3A_139 = arith.constant 0 : i32
      %dma_start3A_140 = tpu.memref_slice %arg6[%dma_start3A_138, %dma_start3A_139] : memref<16x1105xf32, #tpu.memory_space<vmem>> -> memref<16x1024xf32, #tpu.memory_space<vmem>>
      %dma_start3A_141 = arith.constant 0 : i32
      %dma_start3A_142 = tpu.memref_slice %arg2[%dma_start3A_141, %mul3A_133] : memref<16x2600000xf32, #tpu.memory_space<hbm>> -> memref<16x1024xf32, #tpu.memory_space<hbm>>
      tpu.enqueue_dma source(%dma_start3A_142 : memref<16x1024xf32, #tpu.memory_space<hbm>>) target(%dma_start3A_140 : memref<16x1024xf32, #tpu.memory_space<vmem>>) target_semaphore(%arg10 : memref<!tpu.dma_semaphore, #tpu.memory_space<semaphore_mem>>)
    } else {
    }
    %scan3A = arith.constant 0 : i32
    %scan3A_108 = arith.constant 40 : i32
    %scan3A_109 = arith.addi %scan3A, %scan3A_108 : i32
    %scan3A_110 = arith.constant 1 : i32
    scf.for %scan3A_130 = %scan3A to %scan3A_109 step %scan3A_110  : i32 {
      %mul3A_131 = arith.constant 2 : i32
      %mul3A_132 = arith.muli %mul3A_131, %scan3A_130 : i32
      %add3A_133 = arith.constant 0 : i32
      %add3A_134 = arith.addi %mul3A_132, %add3A_133 : i32
      %ge3A = arith.constant 2 : i32
      %ge3A_135 = arith.cmpi sge, %add3A_134, %ge3A : i32
      %sub3A = arith.constant 2 : i32
      %sub3A_136 = arith.subi %add3A_134, %sub3A : i32
      %mul3A_137 = arith.constant 32 : i32
      %mul3A_138 = arith.muli %sub3A_136, %mul3A_137 : i32
      %add3A_139 = arith.addi %mul3A_138, %add3A : i32
      %lt3A_140 = arith.constant 2539 : i32
      %lt3A_141 = arith.cmpi slt, %add3A_139, %lt3A_140 : i32
      %and3A = arith.andi %ge3A_135, %lt3A_141 : i1
      %convert_element_type3A_142 = arith.extui %and3A : i1 to i32
      %cond3A_143 = arith.constant 0 : i32
      %cond3A_144 = arith.cmpi ne, %convert_element_type3A_142, %cond3A_143 : i32
      scf.if %cond3A_144 {
        %sub3A_198 = arith.constant 2 : i32
        %sub3A_199 = arith.subi %add3A_134, %sub3A_198 : i32
        %mul3A_200 = arith.constant 32 : i32
        %mul3A_201 = arith.muli %sub3A_199, %mul3A_200 : i32
        %add3A_202 = arith.addi %mul3A_201, %add3A : i32
        %mul3A_203 = arith.constant 1024 : i32
        %mul3A_204 = arith.muli %add3A_202, %mul3A_203 : i32
        %mul3A_205 = arith.constant 16 : i32
        %mul3A_206 = arith.muli %mul3A_204, %mul3A_205 : i32
        %dma_wait3A = tpu.memref_slice %arg4[%mul3A_206] : memref<41600000xf32, #tpu.memory_space<hbm>> -> memref<16384xf32, #tpu.memory_space<hbm>>
        %dma_wait3A_207 = tpu.memref_slice %arg4[%mul3A_206] : memref<41600000xf32, #tpu.memory_space<hbm>> -> memref<16384xf32, #tpu.memory_space<hbm>>
        tpu.wait_dma2 semaphore(%arg11 : memref<!tpu.dma_semaphore, #tpu.memory_space<semaphore_mem>>) src(%arg7 : memref<16384xf32, #tpu.memory_space<vmem>>) dst(%dma_wait3A_207 : memref<16384xf32, #tpu.memory_space<hbm>>)
      } else {
      }
      %mul3A_145 = arith.constant 32 : i32
      %mul3A_146 = arith.muli %add3A_134, %mul3A_145 : i32
      %add3A_147 = arith.addi %mul3A_146, %add3A : i32
      %lt3A_148 = arith.constant 2539 : i32
      %lt3A_149 = arith.cmpi slt, %add3A_147, %lt3A_148 : i32
      %convert_element_type3A_150 = arith.extui %lt3A_149 : i1 to i32
      %cond3A_151 = arith.constant 0 : i32
      %cond3A_152 = arith.cmpi ne, %convert_element_type3A_150, %cond3A_151 : i32
      scf.if %cond3A_152 {
        %mul3A_198 = arith.constant 32 : i32
        %mul3A_199 = arith.muli %add3A_134, %mul3A_198 : i32
        %add3A_200 = arith.addi %mul3A_199, %add3A : i32
        %mul3A_201 = arith.constant 1024 : i32
        %mul3A_202 = arith.muli %add3A_200, %mul3A_201 : i32
        %dma_wait3A = arith.constant 0 : i32
        %dma_wait3A_203 = arith.constant 0 : i32
        %dma_wait3A_204 = tpu.memref_slice %arg5[%dma_wait3A, %dma_wait3A_203] : memref<16x1105xf32, #tpu.memory_space<vmem>> -> memref<16x1024xf32, #tpu.memory_space<vmem>>
        %dma_wait3A_205 = arith.constant 0 : i32
        %dma_wait3A_206 = tpu.memref_slice %arg2[%dma_wait3A_205, %mul3A_202] : memref<16x2600000xf32, #tpu.memory_space<hbm>> -> memref<16x1024xf32, #tpu.memory_space<hbm>>
        %dma_wait3A_207 = arith.constant 0 : i32
        %dma_wait3A_208 = arith.constant 0 : i32
        %dma_wait3A_209 = tpu.memref_slice %arg5[%dma_wait3A_207, %dma_wait3A_208] : memref<16x1105xf32, #tpu.memory_space<vmem>> -> memref<16x1024xf32, #tpu.memory_space<vmem>>
        %dma_wait3A_210 = arith.constant 0 : i32
        %dma_wait3A_211 = tpu.memref_slice %arg2[%dma_wait3A_210, %mul3A_202] : memref<16x2600000xf32, #tpu.memory_space<hbm>> -> memref<16x1024xf32, #tpu.memory_space<hbm>>
        tpu.wait_dma2 semaphore(%arg9 : memref<!tpu.dma_semaphore, #tpu.memory_space<semaphore_mem>>) src(%dma_wait3A_211 : memref<16x1024xf32, #tpu.memory_space<hbm>>) dst(%dma_wait3A_209 : memref<16x1024xf32, #tpu.memory_space<vmem>>)
        %scan3A_212 = arith.constant 0 : i32
        %scan3A_213 = arith.constant 64 : i32
        %scan3A_214 = arith.addi %scan3A_212, %scan3A_213 : i32
        %scan3A_215 = arith.constant 1 : i32
        scf.for %scan3A_225 = %scan3A_212 to %scan3A_214 step %scan3A_215  : i32 {
          %mul3A_226 = arith.constant 16 : i32
          %mul3A_227 = arith.muli %scan3A_225, %mul3A_226 : i32
          %mul3A_228 = arith.constant 16 : i32
          %mul3A_229 = arith.muli %mul3A_227, %mul3A_228 : i32
          %mul3A_230 = arith.constant 16 : i32
          %mul3A_231 = arith.muli %scan3A_225, %mul3A_230 : i32
          %get3A = arith.constant 0 : i32
          %get3A_232 = arith.index_cast %get3A : i32 to index
          %get3A_233 = arith.index_cast %mul3A_231 : i32 to index
          %get3A_234 = tpu.vector_load %arg5[%get3A_232, %get3A_233] {strides = array<i32>} : memref<16x1105xf32, #tpu.memory_space<vmem>>, vector<16xf32>,
          %scatter3A = tpu.memref_slice %arg7[%mul3A_229] : memref<16384xf32, #tpu.memory_space<vmem>> -> memref<256xf32, #tpu.memory_space<vmem>>
          tpu.vector_store_idx %scatter3A[%add3A_6], %get3A_234 : memref<256xf32, #tpu.memory_space<vmem>>[vector<16xi32>], vector<16xf32>,
          %mul3A_235 = arith.constant 16 : i32
          %mul3A_236 = arith.muli %scan3A_225, %mul3A_235 : i32
          %get3A_237 = arith.constant 1 : i32
          %get3A_238 = arith.index_cast %get3A_237 : i32 to index
          %get3A_239 = arith.index_cast %mul3A_236 : i32 to index
          %get3A_240 = tpu.vector_load %arg5[%get3A_238, %get3A_239] {strides = array<i32>} : memref<16x1105xf32, #tpu.memory_space<vmem>>, vector<16xf32>,
          %scatter3A_241 = tpu.memref_slice %arg7[%mul3A_229] : memref<16384xf32, #tpu.memory_space<vmem>> -> memref<256xf32, #tpu.memory_space<vmem>>
          tpu.vector_store_idx %scatter3A_241[%add3A_12], %get3A_240 : memref<256xf32, #tpu.memory_space<vmem>>[vector<16xi32>], vector<16xf32>,
          %mul3A_242 = arith.constant 16 : i32
          %mul3A_243 = arith.muli %scan3A_225, %mul3A_242 : i32
          %get3A_244 = arith.constant 2 : i32
          %get3A_245 = arith.index_cast %get3A_244 : i32 to index
          %get3A_246 = arith.index_cast %mul3A_243 : i32 to index
          %get3A_247 = tpu.vector_load %arg5[%get3A_245, %get3A_246] {strides = array<i32>} : memref<16x1105xf32, #tpu.memory_space<vmem>>, vector<16xf32>,
          %scatter3A_248 = tpu.memref_slice %arg7[%mul3A_229] : memref<16384xf32, #tpu.memory_space<vmem>> -> memref<256xf32, #tpu.memory_space<vmem>>
          tpu.vector_store_idx %scatter3A_248[%add3A_18], %get3A_247 : memref<256xf32, #tpu.memory_space<vmem>>[vector<16xi32>], vector<16xf32>,
          %mul3A_249 = arith.constant 16 : i32
          %mul3A_250 = arith.muli %scan3A_225, %mul3A_249 : i32
          %get3A_251 = arith.constant 3 : i32
          %get3A_252 = arith.index_cast %get3A_251 : i32 to index
          %get3A_253 = arith.index_cast %mul3A_250 : i32 to index
          %get3A_254 = tpu.vector_load %arg5[%get3A_252, %get3A_253] {strides = array<i32>} : memref<16x1105xf32, #tpu.memory_space<vmem>>, vector<16xf32>,
          %scatter3A_255 = tpu.memref_slice %arg7[%mul3A_229] : memref<16384xf32, #tpu.memory_space<vmem>> -> memref<256xf32, #tpu.memory_space<vmem>>
          tpu.vector_store_idx %scatter3A_255[%add3A_24], %get3A_254 : memref<256xf32, #tpu.memory_space<vmem>>[vector<16xi32>], vector<16xf32>,
          %mul3A_256 = arith.constant 16 : i32
          %mul3A_257 = arith.muli %scan3A_225, %mul3A_256 : i32
          %get3A_258 = arith.constant 4 : i32
          %get3A_259 = arith.index_cast %get3A_258 : i32 to index
          %get3A_260 = arith.index_cast %mul3A_257 : i32 to index
          %get3A_261 = tpu.vector_load %arg5[%get3A_259, %get3A_260] {strides = array<i32>} : memref<16x1105xf32, #tpu.memory_space<vmem>>, vector<16xf32>,
          %scatter3A_262 = tpu.memref_slice %arg7[%mul3A_229] : memref<16384xf32, #tpu.memory_space<vmem>> -> memref<256xf32, #tpu.memory_space<vmem>>
          tpu.vector_store_idx %scatter3A_262[%add3A_30], %get3A_261 : memref<256xf32, #tpu.memory_space<vmem>>[vector<16xi32>], vector<16xf32>,
          %mul3A_263 = arith.constant 16 : i32
          %mul3A_264 = arith.muli %scan3A_225, %mul3A_263 : i32
          %get3A_265 = arith.constant 5 : i32
          %get3A_266 = arith.index_cast %get3A_265 : i32 to index
          %get3A_267 = arith.index_cast %mul3A_264 : i32 to index
          %get3A_268 = tpu.vector_load %arg5[%get3A_266, %get3A_267] {strides = array<i32>} : memref<16x1105xf32, #tpu.memory_space<vmem>>, vector<16xf32>,
          %scatter3A_269 = tpu.memref_slice %arg7[%mul3A_229] : memref<16384xf32, #tpu.memory_space<vmem>> -> memref<256xf32, #tpu.memory_space<vmem>>
          tpu.vector_store_idx %scatter3A_269[%add3A_36], %get3A_268 : memref<256xf32, #tpu.memory_space<vmem>>[vector<16xi32>], vector<16xf32>,
          %mul3A_270 = arith.constant 16 : i32
          %mul3A_271 = arith.muli %scan3A_225, %mul3A_270 : i32
          %get3A_272 = arith.constant 6 : i32
          %get3A_273 = arith.index_cast %get3A_272 : i32 to index
          %get3A_274 = arith.index_cast %mul3A_271 : i32 to index
          %get3A_275 = tpu.vector_load %arg5[%get3A_273, %get3A_274] {strides = array<i32>} : memref<16x1105xf32, #tpu.memory_space<vmem>>, vector<16xf32>,
          %scatter3A_276 = tpu.memref_slice %arg7[%mul3A_229] : memref<16384xf32, #tpu.memory_space<vmem>> -> memref<256xf32, #tpu.memory_space<vmem>>
          tpu.vector_store_idx %scatter3A_276[%add3A_42], %get3A_275 : memref<256xf32, #tpu.memory_space<vmem>>[vector<16xi32>], vector<16xf32>,
          %mul3A_277 = arith.constant 16 : i32
          %mul3A_278 = arith.muli %scan3A_225, %mul3A_277 : i32
          %get3A_279 = arith.constant 7 : i32
          %get3A_280 = arith.index_cast %get3A_279 : i32 to index
          %get3A_281 = arith.index_cast %mul3A_278 : i32 to index
          %get3A_282 = tpu.vector_load %arg5[%get3A_280, %get3A_281] {strides = array<i32>} : memref<16x1105xf32, #tpu.memory_space<vmem>>, vector<16xf32>,
          %scatter3A_283 = tpu.memref_slice %arg7[%mul3A_229] : memref<16384xf32, #tpu.memory_space<vmem>> -> memref<256xf32, #tpu.memory_space<vmem>>
          tpu.vector_store_idx %scatter3A_283[%add3A_48], %get3A_282 : memref<256xf32, #tpu.memory_space<vmem>>[vector<16xi32>], vector<16xf32>,
          %mul3A_284 = arith.constant 16 : i32
          %mul3A_285 = arith.muli %scan3A_225, %mul3A_284 : i32
          %get3A_286 = arith.constant 8 : i32
          %get3A_287 = arith.index_cast %get3A_286 : i32 to index
          %get3A_288 = arith.index_cast %mul3A_285 : i32 to index
          %get3A_289 = tpu.vector_load %arg5[%get3A_287, %get3A_288] {strides = array<i32>} : memref<16x1105xf32, #tpu.memory_space<vmem>>, vector<16xf32>,
          %scatter3A_290 = tpu.memref_slice %arg7[%mul3A_229] : memref<16384xf32, #tpu.memory_space<vmem>> -> memref<256xf32, #tpu.memory_space<vmem>>
          tpu.vector_store_idx %scatter3A_290[%add3A_54], %get3A_289 : memref<256xf32, #tpu.memory_space<vmem>>[vector<16xi32>], vector<16xf32>,
          %mul3A_291 = arith.constant 16 : i32
          %mul3A_292 = arith.muli %scan3A_225, %mul3A_291 : i32
          %get3A_293 = arith.constant 9 : i32
          %get3A_294 = arith.index_cast %get3A_293 : i32 to index
          %get3A_295 = arith.index_cast %mul3A_292 : i32 to index
          %get3A_296 = tpu.vector_load %arg5[%get3A_294, %get3A_295] {strides = array<i32>} : memref<16x1105xf32, #tpu.memory_space<vmem>>, vector<16xf32>,
          %scatter3A_297 = tpu.memref_slice %arg7[%mul3A_229] : memref<16384xf32, #tpu.memory_space<vmem>> -> memref<256xf32, #tpu.memory_space<vmem>>
          tpu.vector_store_idx %scatter3A_297[%add3A_60], %get3A_296 : memref<256xf32, #tpu.memory_space<vmem>>[vector<16xi32>], vector<16xf32>,
          %mul3A_298 = arith.constant 16 : i32
          %mul3A_299 = arith.muli %scan3A_225, %mul3A_298 : i32
          %get3A_300 = arith.constant 10 : i32
          %get3A_301 = arith.index_cast %get3A_300 : i32 to index
          %get3A_302 = arith.index_cast %mul3A_299 : i32 to index
          %get3A_303 = tpu.vector_load %arg5[%get3A_301, %get3A_302] {strides = array<i32>} : memref<16x1105xf32, #tpu.memory_space<vmem>>, vector<16xf32>,
          %scatter3A_304 = tpu.memref_slice %arg7[%mul3A_229] : memref<16384xf32, #tpu.memory_space<vmem>> -> memref<256xf32, #tpu.memory_space<vmem>>
          tpu.vector_store_idx %scatter3A_304[%add3A_66], %get3A_303 : memref<256xf32, #tpu.memory_space<vmem>>[vector<16xi32>], vector<16xf32>,
          %mul3A_305 = arith.constant 16 : i32
          %mul3A_306 = arith.muli %scan3A_225, %mul3A_305 : i32
          %get3A_307 = arith.constant 11 : i32
          %get3A_308 = arith.index_cast %get3A_307 : i32 to index
          %get3A_309 = arith.index_cast %mul3A_306 : i32 to index
          %get3A_310 = tpu.vector_load %arg5[%get3A_308, %get3A_309] {strides = array<i32>} : memref<16x1105xf32, #tpu.memory_space<vmem>>, vector<16xf32>,
          %scatter3A_311 = tpu.memref_slice %arg7[%mul3A_229] : memref<16384xf32, #tpu.memory_space<vmem>> -> memref<256xf32, #tpu.memory_space<vmem>>
          tpu.vector_store_idx %scatter3A_311[%add3A_72], %get3A_310 : memref<256xf32, #tpu.memory_space<vmem>>[vector<16xi32>], vector<16xf32>,
          %mul3A_312 = arith.constant 16 : i32
          %mul3A_313 = arith.muli %scan3A_225, %mul3A_312 : i32
          %get3A_314 = arith.constant 12 : i32
          %get3A_315 = arith.index_cast %get3A_314 : i32 to index
          %get3A_316 = arith.index_cast %mul3A_313 : i32 to index
          %get3A_317 = tpu.vector_load %arg5[%get3A_315, %get3A_316] {strides = array<i32>} : memref<16x1105xf32, #tpu.memory_space<vmem>>, vector<16xf32>,
          %scatter3A_318 = tpu.memref_slice %arg7[%mul3A_229] : memref<16384xf32, #tpu.memory_space<vmem>> -> memref<256xf32, #tpu.memory_space<vmem>>
          tpu.vector_store_idx %scatter3A_318[%add3A_78], %get3A_317 : memref<256xf32, #tpu.memory_space<vmem>>[vector<16xi32>], vector<16xf32>,
          %mul3A_319 = arith.constant 16 : i32
          %mul3A_320 = arith.muli %scan3A_225, %mul3A_319 : i32
          %get3A_321 = arith.constant 13 : i32
          %get3A_322 = arith.index_cast %get3A_321 : i32 to index
          %get3A_323 = arith.index_cast %mul3A_320 : i32 to index
          %get3A_324 = tpu.vector_load %arg5[%get3A_322, %get3A_323] {strides = array<i32>} : memref<16x1105xf32, #tpu.memory_space<vmem>>, vector<16xf32>,
          %scatter3A_325 = tpu.memref_slice %arg7[%mul3A_229] : memref<16384xf32, #tpu.memory_space<vmem>> -> memref<256xf32, #tpu.memory_space<vmem>>
          tpu.vector_store_idx %scatter3A_325[%add3A_84], %get3A_324 : memref<256xf32, #tpu.memory_space<vmem>>[vector<16xi32>], vector<16xf32>,
          %mul3A_326 = arith.constant 16 : i32
          %mul3A_327 = arith.muli %scan3A_225, %mul3A_326 : i32
          %get3A_328 = arith.constant 14 : i32
          %get3A_329 = arith.index_cast %get3A_328 : i32 to index
          %get3A_330 = arith.index_cast %mul3A_327 : i32 to index
          %get3A_331 = tpu.vector_load %arg5[%get3A_329, %get3A_330] {strides = array<i32>} : memref<16x1105xf32, #tpu.memory_space<vmem>>, vector<16xf32>,
          %scatter3A_332 = tpu.memref_slice %arg7[%mul3A_229] : memref<16384xf32, #tpu.memory_space<vmem>> -> memref<256xf32, #tpu.memory_space<vmem>>
          tpu.vector_store_idx %scatter3A_332[%add3A_90], %get3A_331 : memref<256xf32, #tpu.memory_space<vmem>>[vector<16xi32>], vector<16xf32>,
          %mul3A_333 = arith.constant 16 : i32
          %mul3A_334 = arith.muli %scan3A_225, %mul3A_333 : i32
          %get3A_335 = arith.constant 15 : i32
          %get3A_336 = arith.index_cast %get3A_335 : i32 to index
          %get3A_337 = arith.index_cast %mul3A_334 : i32 to index
          %get3A_338 = tpu.vector_load %arg5[%get3A_336, %get3A_337] {strides = array<i32>} : memref<16x1105xf32, #tpu.memory_space<vmem>>, vector<16xf32>,
          %scatter3A_339 = tpu.memref_slice %arg7[%mul3A_229] : memref<16384xf32, #tpu.memory_space<vmem>> -> memref<256xf32, #tpu.memory_space<vmem>>
          tpu.vector_store_idx %scatter3A_339[%add3A_96], %get3A_338 : memref<256xf32, #tpu.memory_space<vmem>>[vector<16xi32>], vector<16xf32>,
        }
        %scan3A_216 = arith.constant 64 : i32
        %mul3A_217 = arith.constant 32 : i32
        %mul3A_218 = arith.muli %add3A_134, %mul3A_217 : i32
        %add3A_219 = arith.addi %mul3A_218, %add3A : i32
        %mul3A_220 = arith.constant 1024 : i32
        %mul3A_221 = arith.muli %add3A_219, %mul3A_220 : i32
        %mul3A_222 = arith.constant 16 : i32
        %mul3A_223 = arith.muli %mul3A_221, %mul3A_222 : i32
        %dma_start3A = tpu.memref_slice %arg4[%mul3A_223] : memref<41600000xf32, #tpu.memory_space<hbm>> -> memref<16384xf32, #tpu.memory_space<hbm>>
        %dma_start3A_224 = tpu.memref_slice %arg4[%mul3A_223] : memref<41600000xf32, #tpu.memory_space<hbm>> -> memref<16384xf32, #tpu.memory_space<hbm>>
        tpu.enqueue_dma source(%arg7 : memref<16384xf32, #tpu.memory_space<vmem>>) target(%dma_start3A_224 : memref<16384xf32, #tpu.memory_space<hbm>>) target_semaphore(%arg11 : memref<!tpu.dma_semaphore, #tpu.memory_space<semaphore_mem>>)
      } else {
      }
      %add3A_153 = arith.constant 2 : i32
      %add3A_154 = arith.addi %add3A_134, %add3A_153 : i32
      %mul3A_155 = arith.constant 32 : i32
      %mul3A_156 = arith.muli %add3A_154, %mul3A_155 : i32
      %add3A_157 = arith.addi %mul3A_156, %add3A : i32
      %lt3A_158 = arith.constant 2539 : i32
      %lt3A_159 = arith.cmpi slt, %add3A_157, %lt3A_158 : i32
      %convert_element_type3A_160 = arith.extui %lt3A_159 : i1 to i32
      %cond3A_161 = arith.constant 0 : i32
      %cond3A_162 = arith.cmpi ne, %convert_element_type3A_160, %cond3A_161 : i32
      scf.if %cond3A_162 {
        %add3A_198 = arith.constant 2 : i32
        %add3A_199 = arith.addi %add3A_134, %add3A_198 : i32
        %mul3A_200 = arith.constant 32 : i32
        %mul3A_201 = arith.muli %add3A_199, %mul3A_200 : i32
        %add3A_202 = arith.addi %mul3A_201, %add3A : i32
        %mul3A_203 = arith.constant 1024 : i32
        %mul3A_204 = arith.muli %add3A_202, %mul3A_203 : i32
        %dma_start3A = arith.constant 0 : i32
        %dma_start3A_205 = arith.constant 0 : i32
        %dma_start3A_206 = tpu.memref_slice %arg5[%dma_start3A, %dma_start3A_205] : memref<16x1105xf32, #tpu.memory_space<vmem>> -> memref<16x1024xf32, #tpu.memory_space<vmem>>
        %dma_start3A_207 = arith.constant 0 : i32
        %dma_start3A_208 = tpu.memref_slice %arg2[%dma_start3A_207, %mul3A_204] : memref<16x2600000xf32, #tpu.memory_space<hbm>> -> memref<16x1024xf32, #tpu.memory_space<hbm>>
        %dma_start3A_209 = arith.constant 0 : i32
        %dma_start3A_210 = arith.constant 0 : i32
        %dma_start3A_211 = tpu.memref_slice %arg5[%dma_start3A_209, %dma_start3A_210] : memref<16x1105xf32, #tpu.memory_space<vmem>> -> memref<16x1024xf32, #tpu.memory_space<vmem>>
        %dma_start3A_212 = arith.constant 0 : i32
        %dma_start3A_213 = tpu.memref_slice %arg2[%dma_start3A_212, %mul3A_204] : memref<16x2600000xf32, #tpu.memory_space<hbm>> -> memref<16x1024xf32, #tpu.memory_space<hbm>>
        tpu.enqueue_dma source(%dma_start3A_213 : memref<16x1024xf32, #tpu.memory_space<hbm>>) target(%dma_start3A_211 : memref<16x1024xf32, #tpu.memory_space<vmem>>) target_semaphore(%arg9 : memref<!tpu.dma_semaphore, #tpu.memory_space<semaphore_mem>>)
      } else {
      }
      %mul3A_163 = arith.constant 2 : i32
      %mul3A_164 = arith.muli %mul3A_163, %scan3A_130 : i32
      %add3A_165 = arith.constant 1 : i32
      %add3A_166 = arith.addi %mul3A_164, %add3A_165 : i32
      %ge3A_167 = arith.constant 2 : i32
      %ge3A_168 = arith.cmpi sge, %add3A_166, %ge3A_167 : i32
      %sub3A_169 = arith.constant 2 : i32
      %sub3A_170 = arith.subi %add3A_166, %sub3A_169 : i32
      %mul3A_171 = arith.constant 32 : i32
      %mul3A_172 = arith.muli %sub3A_170, %mul3A_171 : i32
      %add3A_173 = arith.addi %mul3A_172, %add3A : i32
      %lt3A_174 = arith.constant 2539 : i32
      %lt3A_175 = arith.cmpi slt, %add3A_173, %lt3A_174 : i32
      %and3A_176 = arith.andi %ge3A_168, %lt3A_175 : i1
      %convert_element_type3A_177 = arith.extui %and3A_176 : i1 to i32
      %cond3A_178 = arith.constant 0 : i32
      %cond3A_179 = arith.cmpi ne, %convert_element_type3A_177, %cond3A_178 : i32
      scf.if %cond3A_179 {
        %sub3A_198 = arith.constant 2 : i32
        %sub3A_199 = arith.subi %add3A_166, %sub3A_198 : i32
        %mul3A_200 = arith.constant 32 : i32
        %mul3A_201 = arith.muli %sub3A_199, %mul3A_200 : i32
        %add3A_202 = arith.addi %mul3A_201, %add3A : i32
        %mul3A_203 = arith.constant 1024 : i32
        %mul3A_204 = arith.muli %add3A_202, %mul3A_203 : i32
        %mul3A_205 = arith.constant 16 : i32
        %mul3A_206 = arith.muli %mul3A_204, %mul3A_205 : i32
        %dma_wait3A = tpu.memref_slice %arg4[%mul3A_206] : memref<41600000xf32, #tpu.memory_space<hbm>> -> memref<16384xf32, #tpu.memory_space<hbm>>
        %dma_wait3A_207 = tpu.memref_slice %arg4[%mul3A_206] : memref<41600000xf32, #tpu.memory_space<hbm>> -> memref<16384xf32, #tpu.memory_space<hbm>>
        tpu.wait_dma2 semaphore(%arg12 : memref<!tpu.dma_semaphore, #tpu.memory_space<semaphore_mem>>) src(%arg8 : memref<16384xf32, #tpu.memory_space<vmem>>) dst(%dma_wait3A_207 : memref<16384xf32, #tpu.memory_space<hbm>>)
      } else {
      }
      %mul3A_180 = arith.constant 32 : i32
      %mul3A_181 = arith.muli %add3A_166, %mul3A_180 : i32
      %add3A_182 = arith.addi %mul3A_181, %add3A : i32
      %lt3A_183 = arith.constant 2539 : i32
      %lt3A_184 = arith.cmpi slt, %add3A_182, %lt3A_183 : i32
      %convert_element_type3A_185 = arith.extui %lt3A_184 : i1 to i32
      %cond3A_186 = arith.constant 0 : i32
      %cond3A_187 = arith.cmpi ne, %convert_element_type3A_185, %cond3A_186 : i32
      scf.if %cond3A_187 {
        %mul3A_198 = arith.constant 32 : i32
        %mul3A_199 = arith.muli %add3A_166, %mul3A_198 : i32
        %add3A_200 = arith.addi %mul3A_199, %add3A : i32
        %mul3A_201 = arith.constant 1024 : i32
        %mul3A_202 = arith.muli %add3A_200, %mul3A_201 : i32
        %dma_wait3A = arith.constant 0 : i32
        %dma_wait3A_203 = arith.constant 0 : i32
        %dma_wait3A_204 = tpu.memref_slice %arg6[%dma_wait3A, %dma_wait3A_203] : memref<16x1105xf32, #tpu.memory_space<vmem>> -> memref<16x1024xf32, #tpu.memory_space<vmem>>
        %dma_wait3A_205 = arith.constant 0 : i32
        %dma_wait3A_206 = tpu.memref_slice %arg2[%dma_wait3A_205, %mul3A_202] : memref<16x2600000xf32, #tpu.memory_space<hbm>> -> memref<16x1024xf32, #tpu.memory_space<hbm>>
        %dma_wait3A_207 = arith.constant 0 : i32
        %dma_wait3A_208 = arith.constant 0 : i32
        %dma_wait3A_209 = tpu.memref_slice %arg6[%dma_wait3A_207, %dma_wait3A_208] : memref<16x1105xf32, #tpu.memory_space<vmem>> -> memref<16x1024xf32, #tpu.memory_space<vmem>>
        %dma_wait3A_210 = arith.constant 0 : i32
        %dma_wait3A_211 = tpu.memref_slice %arg2[%dma_wait3A_210, %mul3A_202] : memref<16x2600000xf32, #tpu.memory_space<hbm>> -> memref<16x1024xf32, #tpu.memory_space<hbm>>
        tpu.wait_dma2 semaphore(%arg10 : memref<!tpu.dma_semaphore, #tpu.memory_space<semaphore_mem>>) src(%dma_wait3A_211 : memref<16x1024xf32, #tpu.memory_space<hbm>>) dst(%dma_wait3A_209 : memref<16x1024xf32, #tpu.memory_space<vmem>>)
        %scan3A_212 = arith.constant 0 : i32
        %scan3A_213 = arith.constant 64 : i32
        %scan3A_214 = arith.addi %scan3A_212, %scan3A_213 : i32
        %scan3A_215 = arith.constant 1 : i32
        scf.for %scan3A_225 = %scan3A_212 to %scan3A_214 step %scan3A_215  : i32 {
          %mul3A_226 = arith.constant 16 : i32
          %mul3A_227 = arith.muli %scan3A_225, %mul3A_226 : i32
          %mul3A_228 = arith.constant 16 : i32
          %mul3A_229 = arith.muli %mul3A_227, %mul3A_228 : i32
          %mul3A_230 = arith.constant 16 : i32
          %mul3A_231 = arith.muli %scan3A_225, %mul3A_230 : i32
          %get3A = arith.constant 0 : i32
          %get3A_232 = arith.index_cast %get3A : i32 to index
          %get3A_233 = arith.index_cast %mul3A_231 : i32 to index
          %get3A_234 = tpu.vector_load %arg6[%get3A_232, %get3A_233] {strides = array<i32>} : memref<16x1105xf32, #tpu.memory_space<vmem>>, vector<16xf32>,
          %scatter3A = tpu.memref_slice %arg8[%mul3A_229] : memref<16384xf32, #tpu.memory_space<vmem>> -> memref<256xf32, #tpu.memory_space<vmem>>
          tpu.vector_store_idx %scatter3A[%add3A_6], %get3A_234 : memref<256xf32, #tpu.memory_space<vmem>>[vector<16xi32>], vector<16xf32>,
          %mul3A_235 = arith.constant 16 : i32
          %mul3A_236 = arith.muli %scan3A_225, %mul3A_235 : i32
          %get3A_237 = arith.constant 1 : i32
          %get3A_238 = arith.index_cast %get3A_237 : i32 to index
          %get3A_239 = arith.index_cast %mul3A_236 : i32 to index
          %get3A_240 = tpu.vector_load %arg6[%get3A_238, %get3A_239] {strides = array<i32>} : memref<16x1105xf32, #tpu.memory_space<vmem>>, vector<16xf32>,
          %scatter3A_241 = tpu.memref_slice %arg8[%mul3A_229] : memref<16384xf32, #tpu.memory_space<vmem>> -> memref<256xf32, #tpu.memory_space<vmem>>
          tpu.vector_store_idx %scatter3A_241[%add3A_12], %get3A_240 : memref<256xf32, #tpu.memory_space<vmem>>[vector<16xi32>], vector<16xf32>,
          %mul3A_242 = arith.constant 16 : i32
          %mul3A_243 = arith.muli %scan3A_225, %mul3A_242 : i32
          %get3A_244 = arith.constant 2 : i32
          %get3A_245 = arith.index_cast %get3A_244 : i32 to index
          %get3A_246 = arith.index_cast %mul3A_243 : i32 to index
          %get3A_247 = tpu.vector_load %arg6[%get3A_245, %get3A_246] {strides = array<i32>} : memref<16x1105xf32, #tpu.memory_space<vmem>>, vector<16xf32>,
          %scatter3A_248 = tpu.memref_slice %arg8[%mul3A_229] : memref<16384xf32, #tpu.memory_space<vmem>> -> memref<256xf32, #tpu.memory_space<vmem>>
          tpu.vector_store_idx %scatter3A_248[%add3A_18], %get3A_247 : memref<256xf32, #tpu.memory_space<vmem>>[vector<16xi32>], vector<16xf32>,
          %mul3A_249 = arith.constant 16 : i32
          %mul3A_250 = arith.muli %scan3A_225, %mul3A_249 : i32
          %get3A_251 = arith.constant 3 : i32
          %get3A_252 = arith.index_cast %get3A_251 : i32 to index
          %get3A_253 = arith.index_cast %mul3A_250 : i32 to index
          %get3A_254 = tpu.vector_load %arg6[%get3A_252, %get3A_253] {strides = array<i32>} : memref<16x1105xf32, #tpu.memory_space<vmem>>, vector<16xf32>,
          %scatter3A_255 = tpu.memref_slice %arg8[%mul3A_229] : memref<16384xf32, #tpu.memory_space<vmem>> -> memref<256xf32, #tpu.memory_space<vmem>>
          tpu.vector_store_idx %scatter3A_255[%add3A_24], %get3A_254 : memref<256xf32, #tpu.memory_space<vmem>>[vector<16xi32>], vector<16xf32>,
          %mul3A_256 = arith.constant 16 : i32
          %mul3A_257 = arith.muli %scan3A_225, %mul3A_256 : i32
          %get3A_258 = arith.constant 4 : i32
          %get3A_259 = arith.index_cast %get3A_258 : i32 to index
          %get3A_260 = arith.index_cast %mul3A_257 : i32 to index
          %get3A_261 = tpu.vector_load %arg6[%get3A_259, %get3A_260] {strides = array<i32>} : memref<16x1105xf32, #tpu.memory_space<vmem>>, vector<16xf32>,
          %scatter3A_262 = tpu.memref_slice %arg8[%mul3A_229] : memref<16384xf32, #tpu.memory_space<vmem>> -> memref<256xf32, #tpu.memory_space<vmem>>
          tpu.vector_store_idx %scatter3A_262[%add3A_30], %get3A_261 : memref<256xf32, #tpu.memory_space<vmem>>[vector<16xi32>], vector<16xf32>,
          %mul3A_263 = arith.constant 16 : i32
          %mul3A_264 = arith.muli %scan3A_225, %mul3A_263 : i32
          %get3A_265 = arith.constant 5 : i32
          %get3A_266 = arith.index_cast %get3A_265 : i32 to index
          %get3A_267 = arith.index_cast %mul3A_264 : i32 to index
          %get3A_268 = tpu.vector_load %arg6[%get3A_266, %get3A_267] {strides = array<i32>} : memref<16x1105xf32, #tpu.memory_space<vmem>>, vector<16xf32>,
          %scatter3A_269 = tpu.memref_slice %arg8[%mul3A_229] : memref<16384xf32, #tpu.memory_space<vmem>> -> memref<256xf32, #tpu.memory_space<vmem>>
          tpu.vector_store_idx %scatter3A_269[%add3A_36], %get3A_268 : memref<256xf32, #tpu.memory_space<vmem>>[vector<16xi32>], vector<16xf32>,
          %mul3A_270 = arith.constant 16 : i32
          %mul3A_271 = arith.muli %scan3A_225, %mul3A_270 : i32
          %get3A_272 = arith.constant 6 : i32
          %get3A_273 = arith.index_cast %get3A_272 : i32 to index
          %get3A_274 = arith.index_cast %mul3A_271 : i32 to index
          %get3A_275 = tpu.vector_load %arg6[%get3A_273, %get3A_274] {strides = array<i32>} : memref<16x1105xf32, #tpu.memory_space<vmem>>, vector<16xf32>,
          %scatter3A_276 = tpu.memref_slice %arg8[%mul3A_229] : memref<16384xf32, #tpu.memory_space<vmem>> -> memref<256xf32, #tpu.memory_space<vmem>>
          tpu.vector_store_idx %scatter3A_276[%add3A_42], %get3A_275 : memref<256xf32, #tpu.memory_space<vmem>>[vector<16xi32>], vector<16xf32>,
          %mul3A_277 = arith.constant 16 : i32
          %mul3A_278 = arith.muli %scan3A_225, %mul3A_277 : i32
          %get3A_279 = arith.constant 7 : i32
          %get3A_280 = arith.index_cast %get3A_279 : i32 to index
          %get3A_281 = arith.index_cast %mul3A_278 : i32 to index
          %get3A_282 = tpu.vector_load %arg6[%get3A_280, %get3A_281] {strides = array<i32>} : memref<16x1105xf32, #tpu.memory_space<vmem>>, vector<16xf32>,
          %scatter3A_283 = tpu.memref_slice %arg8[%mul3A_229] : memref<16384xf32, #tpu.memory_space<vmem>> -> memref<256xf32, #tpu.memory_space<vmem>>
          tpu.vector_store_idx %scatter3A_283[%add3A_48], %get3A_282 : memref<256xf32, #tpu.memory_space<vmem>>[vector<16xi32>], vector<16xf32>,
          %mul3A_284 = arith.constant 16 : i32
          %mul3A_285 = arith.muli %scan3A_225, %mul3A_284 : i32
          %get3A_286 = arith.constant 8 : i32
          %get3A_287 = arith.index_cast %get3A_286 : i32 to index
          %get3A_288 = arith.index_cast %mul3A_285 : i32 to index
          %get3A_289 = tpu.vector_load %arg6[%get3A_287, %get3A_288] {strides = array<i32>} : memref<16x1105xf32, #tpu.memory_space<vmem>>, vector<16xf32>,
          %scatter3A_290 = tpu.memref_slice %arg8[%mul3A_229] : memref<16384xf32, #tpu.memory_space<vmem>> -> memref<256xf32, #tpu.memory_space<vmem>>
          tpu.vector_store_idx %scatter3A_290[%add3A_54], %get3A_289 : memref<256xf32, #tpu.memory_space<vmem>>[vector<16xi32>], vector<16xf32>,
          %mul3A_291 = arith.constant 16 : i32
          %mul3A_292 = arith.muli %scan3A_225, %mul3A_291 : i32
          %get3A_293 = arith.constant 9 : i32
          %get3A_294 = arith.index_cast %get3A_293 : i32 to index
          %get3A_295 = arith.index_cast %mul3A_292 : i32 to index
          %get3A_296 = tpu.vector_load %arg6[%get3A_294, %get3A_295] {strides = array<i32>} : memref<16x1105xf32, #tpu.memory_space<vmem>>, vector<16xf32>,
          %scatter3A_297 = tpu.memref_slice %arg8[%mul3A_229] : memref<16384xf32, #tpu.memory_space<vmem>> -> memref<256xf32, #tpu.memory_space<vmem>>
          tpu.vector_store_idx %scatter3A_297[%add3A_60], %get3A_296 : memref<256xf32, #tpu.memory_space<vmem>>[vector<16xi32>], vector<16xf32>,
          %mul3A_298 = arith.constant 16 : i32
          %mul3A_299 = arith.muli %scan3A_225, %mul3A_298 : i32
          %get3A_300 = arith.constant 10 : i32
          %get3A_301 = arith.index_cast %get3A_300 : i32 to index
          %get3A_302 = arith.index_cast %mul3A_299 : i32 to index
          %get3A_303 = tpu.vector_load %arg6[%get3A_301, %get3A_302] {strides = array<i32>} : memref<16x1105xf32, #tpu.memory_space<vmem>>, vector<16xf32>,
          %scatter3A_304 = tpu.memref_slice %arg8[%mul3A_229] : memref<16384xf32, #tpu.memory_space<vmem>> -> memref<256xf32, #tpu.memory_space<vmem>>
          tpu.vector_store_idx %scatter3A_304[%add3A_66], %get3A_303 : memref<256xf32, #tpu.memory_space<vmem>>[vector<16xi32>], vector<16xf32>,
          %mul3A_305 = arith.constant 16 : i32
          %mul3A_306 = arith.muli %scan3A_225, %mul3A_305 : i32
          %get3A_307 = arith.constant 11 : i32
          %get3A_308 = arith.index_cast %get3A_307 : i32 to index
          %get3A_309 = arith.index_cast %mul3A_306 : i32 to index
          %get3A_310 = tpu.vector_load %arg6[%get3A_308, %get3A_309] {strides = array<i32>} : memref<16x1105xf32, #tpu.memory_space<vmem>>, vector<16xf32>,
          %scatter3A_311 = tpu.memref_slice %arg8[%mul3A_229] : memref<16384xf32, #tpu.memory_space<vmem>> -> memref<256xf32, #tpu.memory_space<vmem>>
          tpu.vector_store_idx %scatter3A_311[%add3A_72], %get3A_310 : memref<256xf32, #tpu.memory_space<vmem>>[vector<16xi32>], vector<16xf32>,
          %mul3A_312 = arith.constant 16 : i32
          %mul3A_313 = arith.muli %scan3A_225, %mul3A_312 : i32
          %get3A_314 = arith.constant 12 : i32
          %get3A_315 = arith.index_cast %get3A_314 : i32 to index
          %get3A_316 = arith.index_cast %mul3A_313 : i32 to index
          %get3A_317 = tpu.vector_load %arg6[%get3A_315, %get3A_316] {strides = array<i32>} : memref<16x1105xf32, #tpu.memory_space<vmem>>, vector<16xf32>,
          %scatter3A_318 = tpu.memref_slice %arg8[%mul3A_229] : memref<16384xf32, #tpu.memory_space<vmem>> -> memref<256xf32, #tpu.memory_space<vmem>>
          tpu.vector_store_idx %scatter3A_318[%add3A_78], %get3A_317 : memref<256xf32, #tpu.memory_space<vmem>>[vector<16xi32>], vector<16xf32>,
          %mul3A_319 = arith.constant 16 : i32
          %mul3A_320 = arith.muli %scan3A_225, %mul3A_319 : i32
          %get3A_321 = arith.constant 13 : i32
          %get3A_322 = arith.index_cast %get3A_321 : i32 to index
          %get3A_323 = arith.index_cast %mul3A_320 : i32 to index
          %get3A_324 = tpu.vector_load %arg6[%get3A_322, %get3A_323] {strides = array<i32>} : memref<16x1105xf32, #tpu.memory_space<vmem>>, vector<16xf32>,
          %scatter3A_325 = tpu.memref_slice %arg8[%mul3A_229] : memref<16384xf32, #tpu.memory_space<vmem>> -> memref<256xf32, #tpu.memory_space<vmem>>
          tpu.vector_store_idx %scatter3A_325[%add3A_84], %get3A_324 : memref<256xf32, #tpu.memory_space<vmem>>[vector<16xi32>], vector<16xf32>,
          %mul3A_326 = arith.constant 16 : i32
          %mul3A_327 = arith.muli %scan3A_225, %mul3A_326 : i32
          %get3A_328 = arith.constant 14 : i32
          %get3A_329 = arith.index_cast %get3A_328 : i32 to index
          %get3A_330 = arith.index_cast %mul3A_327 : i32 to index
          %get3A_331 = tpu.vector_load %arg6[%get3A_329, %get3A_330] {strides = array<i32>} : memref<16x1105xf32, #tpu.memory_space<vmem>>, vector<16xf32>,
          %scatter3A_332 = tpu.memref_slice %arg8[%mul3A_229] : memref<16384xf32, #tpu.memory_space<vmem>> -> memref<256xf32, #tpu.memory_space<vmem>>
          tpu.vector_store_idx %scatter3A_332[%add3A_90], %get3A_331 : memref<256xf32, #tpu.memory_space<vmem>>[vector<16xi32>], vector<16xf32>,
          %mul3A_333 = arith.constant 16 : i32
          %mul3A_334 = arith.muli %scan3A_225, %mul3A_333 : i32
          %get3A_335 = arith.constant 15 : i32
          %get3A_336 = arith.index_cast %get3A_335 : i32 to index
          %get3A_337 = arith.index_cast %mul3A_334 : i32 to index
          %get3A_338 = tpu.vector_load %arg6[%get3A_336, %get3A_337] {strides = array<i32>} : memref<16x1105xf32, #tpu.memory_space<vmem>>, vector<16xf32>,
          %scatter3A_339 = tpu.memref_slice %arg8[%mul3A_229] : memref<16384xf32, #tpu.memory_space<vmem>> -> memref<256xf32, #tpu.memory_space<vmem>>
          tpu.vector_store_idx %scatter3A_339[%add3A_96], %get3A_338 : memref<256xf32, #tpu.memory_space<vmem>>[vector<16xi32>], vector<16xf32>,
        }
        %scan3A_216 = arith.constant 64 : i32
        %mul3A_217 = arith.constant 32 : i32
        %mul3A_218 = arith.muli %add3A_166, %mul3A_217 : i32
        %add3A_219 = arith.addi %mul3A_218, %add3A : i32
        %mul3A_220 = arith.constant 1024 : i32
        %mul3A_221 = arith.muli %add3A_219, %mul3A_220 : i32
        %mul3A_222 = arith.constant 16 : i32
        %mul3A_223 = arith.muli %mul3A_221, %mul3A_222 : i32
        %dma_start3A = tpu.memref_slice %arg4[%mul3A_223] : memref<41600000xf32, #tpu.memory_space<hbm>> -> memref<16384xf32, #tpu.memory_space<hbm>>
        %dma_start3A_224 = tpu.memref_slice %arg4[%mul3A_223] : memref<41600000xf32, #tpu.memory_space<hbm>> -> memref<16384xf32, #tpu.memory_space<hbm>>
        tpu.enqueue_dma source(%arg8 : memref<16384xf32, #tpu.memory_space<vmem>>) target(%dma_start3A_224 : memref<16384xf32, #tpu.memory_space<hbm>>) target_semaphore(%arg12 : memref<!tpu.dma_semaphore, #tpu.memory_space<semaphore_mem>>)
      } else {
      }
      %add3A_188 = arith.constant 2 : i32
      %add3A_189 = arith.addi %add3A_166, %add3A_188 : i32
      %mul3A_190 = arith.constant 32 : i32
      %mul3A_191 = arith.muli %add3A_189, %mul3A_190 : i32
      %add3A_192 = arith.addi %mul3A_191, %add3A : i32
      %lt3A_193 = arith.constant 2539 : i32
      %lt3A_194 = arith.cmpi slt, %add3A_192, %lt3A_193 : i32
      %convert_element_type3A_195 = arith.extui %lt3A_194 : i1 to i32
      %cond3A_196 = arith.constant 0 : i32
      %cond3A_197 = arith.cmpi ne, %convert_element_type3A_195, %cond3A_196 : i32
      scf.if %cond3A_197 {
        %add3A_198 = arith.constant 2 : i32
        %add3A_199 = arith.addi %add3A_166, %add3A_198 : i32
        %mul3A_200 = arith.constant 32 : i32
        %mul3A_201 = arith.muli %add3A_199, %mul3A_200 : i32
        %add3A_202 = arith.addi %mul3A_201, %add3A : i32
        %mul3A_203 = arith.constant 1024 : i32
        %mul3A_204 = arith.muli %add3A_202, %mul3A_203 : i32
        %dma_start3A = arith.constant 0 : i32
        %dma_start3A_205 = arith.constant 0 : i32
        %dma_start3A_206 = tpu.memref_slice %arg6[%dma_start3A, %dma_start3A_205] : memref<16x1105xf32, #tpu.memory_space<vmem>> -> memref<16x1024xf32, #tpu.memory_space<vmem>>
        %dma_start3A_207 = arith.constant 0 : i32
        %dma_start3A_208 = tpu.memref_slice %arg2[%dma_start3A_207, %mul3A_204] : memref<16x2600000xf32, #tpu.memory_space<hbm>> -> memref<16x1024xf32, #tpu.memory_space<hbm>>
        %dma_start3A_209 = arith.constant 0 : i32
        %dma_start3A_210 = arith.constant 0 : i32
        %dma_start3A_211 = tpu.memref_slice %arg6[%dma_start3A_209, %dma_start3A_210] : memref<16x1105xf32, #tpu.memory_space<vmem>> -> memref<16x1024xf32, #tpu.memory_space<vmem>>
        %dma_start3A_212 = arith.constant 0 : i32
        %dma_start3A_213 = tpu.memref_slice %arg2[%dma_start3A_212, %mul3A_204] : memref<16x2600000xf32, #tpu.memory_space<hbm>> -> memref<16x1024xf32, #tpu.memory_space<hbm>>
        tpu.enqueue_dma source(%dma_start3A_213 : memref<16x1024xf32, #tpu.memory_space<hbm>>) target(%dma_start3A_211 : memref<16x1024xf32, #tpu.memory_space<vmem>>) target_semaphore(%arg10 : memref<!tpu.dma_semaphore, #tpu.memory_space<semaphore_mem>>)
      } else {
      }
    }
    %scan3A_111 = arith.constant 40 : i32
    %add3A_112 = arith.constant 2496 : i32
    %add3A_113 = arith.addi %add3A_112, %add3A : i32
    %lt3A_114 = arith.constant 2539 : i32
    %lt3A_115 = arith.cmpi slt, %add3A_113, %lt3A_114 : i32
    %convert_element_type3A_116 = arith.extui %lt3A_115 : i1 to i32
    %cond3A_117 = arith.constant 0 : i32
    %cond3A_118 = arith.cmpi ne, %convert_element_type3A_116, %cond3A_117 : i32
    scf.if %cond3A_118 {
      %add3A_130 = arith.constant 2496 : i32
      %add3A_131 = arith.addi %add3A_130, %add3A : i32
      %mul3A_132 = arith.constant 1024 : i32
      %mul3A_133 = arith.muli %add3A_131, %mul3A_132 : i32
      %mul3A_134 = arith.constant 16 : i32
      %mul3A_135 = arith.muli %mul3A_133, %mul3A_134 : i32
      %dma_wait3A = tpu.memref_slice %arg4[%mul3A_135] : memref<41600000xf32, #tpu.memory_space<hbm>> -> memref<16384xf32, #tpu.memory_space<hbm>>
      %dma_wait3A_136 = tpu.memref_slice %arg4[%mul3A_135] : memref<41600000xf32, #tpu.memory_space<hbm>> -> memref<16384xf32, #tpu.memory_space<hbm>>
      tpu.wait_dma2 semaphore(%arg11 : memref<!tpu.dma_semaphore, #tpu.memory_space<semaphore_mem>>) src(%arg7 : memref<16384xf32, #tpu.memory_space<vmem>>) dst(%dma_wait3A_136 : memref<16384xf32, #tpu.memory_space<hbm>>)
    } else {
    }
    %add3A_119 = arith.constant 2528 : i32
    %add3A_120 = arith.addi %add3A_119, %add3A : i32
    %lt3A_121 = arith.constant 2539 : i32
    %lt3A_122 = arith.cmpi slt, %add3A_120, %lt3A_121 : i32
    %convert_element_type3A_123 = arith.extui %lt3A_122 : i1 to i32
    %cond3A_124 = arith.constant 0 : i32
    %cond3A_125 = arith.cmpi ne, %convert_element_type3A_123, %cond3A_124 : i32
    scf.if %cond3A_125 {
      %add3A_130 = arith.constant 2528 : i32
      %add3A_131 = arith.addi %add3A_130, %add3A : i32
      %mul3A_132 = arith.constant 1024 : i32
      %mul3A_133 = arith.muli %add3A_131, %mul3A_132 : i32
      %mul3A_134 = arith.constant 16 : i32
      %mul3A_135 = arith.muli %mul3A_133, %mul3A_134 : i32
      %dma_wait3A = tpu.memref_slice %arg4[%mul3A_135] : memref<41600000xf32, #tpu.memory_space<hbm>> -> memref<16384xf32, #tpu.memory_space<hbm>>
      %dma_wait3A_136 = tpu.memref_slice %arg4[%mul3A_135] : memref<41600000xf32, #tpu.memory_space<hbm>> -> memref<16384xf32, #tpu.memory_space<hbm>>
      tpu.wait_dma2 semaphore(%arg12 : memref<!tpu.dma_semaphore, #tpu.memory_space<semaphore_mem>>) src(%arg8 : memref<16384xf32, #tpu.memory_space<vmem>>) dst(%dma_wait3A_136 : memref<16384xf32, #tpu.memory_space<hbm>>)
    } else {
    }
    %eq3A = arith.constant 31 : i32
    %eq3A_126 = arith.cmpi eq, %add3A, %eq3A : i32
    %convert_element_type3A_127 = arith.extui %eq3A_126 : i1 to i32
    %cond3A_128 = arith.constant 0 : i32
    %cond3A_129 = arith.cmpi ne, %convert_element_type3A_127, %cond3A_128 : i32
    scf.if %cond3A_129 {
      "tpu.region"() ({
        %run_scoped3A = tpu.sem_alloc : memref<!tpu.dma_semaphore, #tpu.memory_space<semaphore_mem>>
        %dma_start3A = arith.constant 0 : i32
        %dma_start3A_135 = arith.constant 0 : i32
        %dma_start3A_136 = tpu.memref_slice %arg5[%dma_start3A, %dma_start3A_135] : memref<16x1105xf32, #tpu.memory_space<vmem>> -> memref<16x128xf32, #tpu.memory_space<vmem>>
        %dma_start3A_137 = arith.constant 0 : i32
        %dma_start3A_138 = arith.constant 0 : i32
        %dma_start3A_139 = tpu.memref_slice %arg5[%dma_start3A_137, %dma_start3A_138] : memref<16x1105xf32, #tpu.memory_space<vmem>> -> memref<16x128xf32, #tpu.memory_space<vmem>>
        tpu.enqueue_dma source(%arg3 : memref<16x128xf32, #tpu.memory_space<hbm>>) target(%dma_start3A_139 : memref<16x128xf32, #tpu.memory_space<vmem>>) target_semaphore(%run_scoped3A : memref<!tpu.dma_semaphore, #tpu.memory_space<semaphore_mem>>)
        %dma_wait3A = arith.constant 0 : i32
        %dma_wait3A_140 = arith.constant 0 : i32
        %dma_wait3A_141 = tpu.memref_slice %arg5[%dma_wait3A, %dma_wait3A_140] : memref<16x1105xf32, #tpu.memory_space<vmem>> -> memref<16x128xf32, #tpu.memory_space<vmem>>
        %dma_wait3A_142 = arith.constant 0 : i32
        %dma_wait3A_143 = arith.constant 0 : i32
        %dma_wait3A_144 = tpu.memref_slice %arg5[%dma_wait3A_142, %dma_wait3A_143] : memref<16x1105xf32, #tpu.memory_space<vmem>> -> memref<16x128xf32, #tpu.memory_space<vmem>>
        tpu.wait_dma2 semaphore(%run_scoped3A : memref<!tpu.dma_semaphore, #tpu.memory_space<semaphore_mem>>) src(%arg3 : memref<16x128xf32, #tpu.memory_space<hbm>>) dst(%dma_wait3A_144 : memref<16x128xf32, #tpu.memory_space<vmem>>)
        tpu.yield
      }) : () -> ()
      %scan3A_130 = arith.constant 0 : i32
      %scan3A_131 = arith.constant 4 : i32
      %scan3A_132 = arith.addi %scan3A_130, %scan3A_131 : i32
      %scan3A_133 = arith.constant 1 : i32
      scf.for %scan3A_135 = %scan3A_130 to %scan3A_132 step %scan3A_133  : i32 {
        %mul3A_136 = arith.constant 16 : i32
        %mul3A_137 = arith.muli %scan3A_135, %mul3A_136 : i32
        %mul3A_138 = arith.constant 16 : i32
        %mul3A_139 = arith.muli %mul3A_137, %mul3A_138 : i32
        %mul3A_140 = arith.constant 16 : i32
        %mul3A_141 = arith.muli %scan3A_135, %mul3A_140 : i32
        %get3A = arith.constant 0 : i32
        %get3A_142 = arith.index_cast %get3A : i32 to index
        %get3A_143 = arith.index_cast %mul3A_141 : i32 to index
        %get3A_144 = tpu.vector_load %arg5[%get3A_142, %get3A_143] {strides = array<i32>} : memref<16x1105xf32, #tpu.memory_space<vmem>>, vector<16xf32>,
        %scatter3A = tpu.memref_slice %arg7[%mul3A_139] : memref<16384xf32, #tpu.memory_space<vmem>> -> memref<256xf32, #tpu.memory_space<vmem>>
        tpu.vector_store_idx %scatter3A[%add3A_6], %get3A_144 : memref<256xf32, #tpu.memory_space<vmem>>[vector<16xi32>], vector<16xf32>,
        %mul3A_145 = arith.constant 16 : i32
        %mul3A_146 = arith.muli %scan3A_135, %mul3A_145 : i32
        %get3A_147 = arith.constant 1 : i32
        %get3A_148 = arith.index_cast %get3A_147 : i32 to index
        %get3A_149 = arith.index_cast %mul3A_146 : i32 to index
        %get3A_150 = tpu.vector_load %arg5[%get3A_148, %get3A_149] {strides = array<i32>} : memref<16x1105xf32, #tpu.memory_space<vmem>>, vector<16xf32>,
        %scatter3A_151 = tpu.memref_slice %arg7[%mul3A_139] : memref<16384xf32, #tpu.memory_space<vmem>> -> memref<256xf32, #tpu.memory_space<vmem>>
        tpu.vector_store_idx %scatter3A_151[%add3A_12], %get3A_150 : memref<256xf32, #tpu.memory_space<vmem>>[vector<16xi32>], vector<16xf32>,
        %mul3A_152 = arith.constant 16 : i32
        %mul3A_153 = arith.muli %scan3A_135, %mul3A_152 : i32
        %get3A_154 = arith.constant 2 : i32
        %get3A_155 = arith.index_cast %get3A_154 : i32 to index
        %get3A_156 = arith.index_cast %mul3A_153 : i32 to index
        %get3A_157 = tpu.vector_load %arg5[%get3A_155, %get3A_156] {strides = array<i32>} : memref<16x1105xf32, #tpu.memory_space<vmem>>, vector<16xf32>,
        %scatter3A_158 = tpu.memref_slice %arg7[%mul3A_139] : memref<16384xf32, #tpu.memory_space<vmem>> -> memref<256xf32, #tpu.memory_space<vmem>>
        tpu.vector_store_idx %scatter3A_158[%add3A_18], %get3A_157 : memref<256xf32, #tpu.memory_space<vmem>>[vector<16xi32>], vector<16xf32>,
        %mul3A_159 = arith.constant 16 : i32
        %mul3A_160 = arith.muli %scan3A_135, %mul3A_159 : i32
        %get3A_161 = arith.constant 3 : i32
        %get3A_162 = arith.index_cast %get3A_161 : i32 to index
        %get3A_163 = arith.index_cast %mul3A_160 : i32 to index
        %get3A_164 = tpu.vector_load %arg5[%get3A_162, %get3A_163] {strides = array<i32>} : memref<16x1105xf32, #tpu.memory_space<vmem>>, vector<16xf32>,
        %scatter3A_165 = tpu.memref_slice %arg7[%mul3A_139] : memref<16384xf32, #tpu.memory_space<vmem>> -> memref<256xf32, #tpu.memory_space<vmem>>
        tpu.vector_store_idx %scatter3A_165[%add3A_24], %get3A_164 : memref<256xf32, #tpu.memory_space<vmem>>[vector<16xi32>], vector<16xf32>,
        %mul3A_166 = arith.constant 16 : i32
        %mul3A_167 = arith.muli %scan3A_135, %mul3A_166 : i32
        %get3A_168 = arith.constant 4 : i32
        %get3A_169 = arith.index_cast %get3A_168 : i32 to index
        %get3A_170 = arith.index_cast %mul3A_167 : i32 to index
        %get3A_171 = tpu.vector_load %arg5[%get3A_169, %get3A_170] {strides = array<i32>} : memref<16x1105xf32, #tpu.memory_space<vmem>>, vector<16xf32>,
        %scatter3A_172 = tpu.memref_slice %arg7[%mul3A_139] : memref<16384xf32, #tpu.memory_space<vmem>> -> memref<256xf32, #tpu.memory_space<vmem>>
        tpu.vector_store_idx %scatter3A_172[%add3A_30], %get3A_171 : memref<256xf32, #tpu.memory_space<vmem>>[vector<16xi32>], vector<16xf32>,
        %mul3A_173 = arith.constant 16 : i32
        %mul3A_174 = arith.muli %scan3A_135, %mul3A_173 : i32
        %get3A_175 = arith.constant 5 : i32
        %get3A_176 = arith.index_cast %get3A_175 : i32 to index
        %get3A_177 = arith.index_cast %mul3A_174 : i32 to index
        %get3A_178 = tpu.vector_load %arg5[%get3A_176, %get3A_177] {strides = array<i32>} : memref<16x1105xf32, #tpu.memory_space<vmem>>, vector<16xf32>,
        %scatter3A_179 = tpu.memref_slice %arg7[%mul3A_139] : memref<16384xf32, #tpu.memory_space<vmem>> -> memref<256xf32, #tpu.memory_space<vmem>>
        tpu.vector_store_idx %scatter3A_179[%add3A_36], %get3A_178 : memref<256xf32, #tpu.memory_space<vmem>>[vector<16xi32>], vector<16xf32>,
        %mul3A_180 = arith.constant 16 : i32
        %mul3A_181 = arith.muli %scan3A_135, %mul3A_180 : i32
        %get3A_182 = arith.constant 6 : i32
        %get3A_183 = arith.index_cast %get3A_182 : i32 to index
        %get3A_184 = arith.index_cast %mul3A_181 : i32 to index
        %get3A_185 = tpu.vector_load %arg5[%get3A_183, %get3A_184] {strides = array<i32>} : memref<16x1105xf32, #tpu.memory_space<vmem>>, vector<16xf32>,
        %scatter3A_186 = tpu.memref_slice %arg7[%mul3A_139] : memref<16384xf32, #tpu.memory_space<vmem>> -> memref<256xf32, #tpu.memory_space<vmem>>
        tpu.vector_store_idx %scatter3A_186[%add3A_42], %get3A_185 : memref<256xf32, #tpu.memory_space<vmem>>[vector<16xi32>], vector<16xf32>,
        %mul3A_187 = arith.constant 16 : i32
        %mul3A_188 = arith.muli %scan3A_135, %mul3A_187 : i32
        %get3A_189 = arith.constant 7 : i32
        %get3A_190 = arith.index_cast %get3A_189 : i32 to index
        %get3A_191 = arith.index_cast %mul3A_188 : i32 to index
        %get3A_192 = tpu.vector_load %arg5[%get3A_190, %get3A_191] {strides = array<i32>} : memref<16x1105xf32, #tpu.memory_space<vmem>>, vector<16xf32>,
        %scatter3A_193 = tpu.memref_slice %arg7[%mul3A_139] : memref<16384xf32, #tpu.memory_space<vmem>> -> memref<256xf32, #tpu.memory_space<vmem>>
        tpu.vector_store_idx %scatter3A_193[%add3A_48], %get3A_192 : memref<256xf32, #tpu.memory_space<vmem>>[vector<16xi32>], vector<16xf32>,
        %mul3A_194 = arith.constant 16 : i32
        %mul3A_195 = arith.muli %scan3A_135, %mul3A_194 : i32
        %get3A_196 = arith.constant 8 : i32
        %get3A_197 = arith.index_cast %get3A_196 : i32 to index
        %get3A_198 = arith.index_cast %mul3A_195 : i32 to index
        %get3A_199 = tpu.vector_load %arg5[%get3A_197, %get3A_198] {strides = array<i32>} : memref<16x1105xf32, #tpu.memory_space<vmem>>, vector<16xf32>,
        %scatter3A_200 = tpu.memref_slice %arg7[%mul3A_139] : memref<16384xf32, #tpu.memory_space<vmem>> -> memref<256xf32, #tpu.memory_space<vmem>>
        tpu.vector_store_idx %scatter3A_200[%add3A_54], %get3A_199 : memref<256xf32, #tpu.memory_space<vmem>>[vector<16xi32>], vector<16xf32>,
        %mul3A_201 = arith.constant 16 : i32
        %mul3A_202 = arith.muli %scan3A_135, %mul3A_201 : i32
        %get3A_203 = arith.constant 9 : i32
        %get3A_204 = arith.index_cast %get3A_203 : i32 to index
        %get3A_205 = arith.index_cast %mul3A_202 : i32 to index
        %get3A_206 = tpu.vector_load %arg5[%get3A_204, %get3A_205] {strides = array<i32>} : memref<16x1105xf32, #tpu.memory_space<vmem>>, vector<16xf32>,
        %scatter3A_207 = tpu.memref_slice %arg7[%mul3A_139] : memref<16384xf32, #tpu.memory_space<vmem>> -> memref<256xf32, #tpu.memory_space<vmem>>
        tpu.vector_store_idx %scatter3A_207[%add3A_60], %get3A_206 : memref<256xf32, #tpu.memory_space<vmem>>[vector<16xi32>], vector<16xf32>,
        %mul3A_208 = arith.constant 16 : i32
        %mul3A_209 = arith.muli %scan3A_135, %mul3A_208 : i32
        %get3A_210 = arith.constant 10 : i32
        %get3A_211 = arith.index_cast %get3A_210 : i32 to index
        %get3A_212 = arith.index_cast %mul3A_209 : i32 to index
        %get3A_213 = tpu.vector_load %arg5[%get3A_211, %get3A_212] {strides = array<i32>} : memref<16x1105xf32, #tpu.memory_space<vmem>>, vector<16xf32>,
        %scatter3A_214 = tpu.memref_slice %arg7[%mul3A_139] : memref<16384xf32, #tpu.memory_space<vmem>> -> memref<256xf32, #tpu.memory_space<vmem>>
        tpu.vector_store_idx %scatter3A_214[%add3A_66], %get3A_213 : memref<256xf32, #tpu.memory_space<vmem>>[vector<16xi32>], vector<16xf32>,
        %mul3A_215 = arith.constant 16 : i32
        %mul3A_216 = arith.muli %scan3A_135, %mul3A_215 : i32
        %get3A_217 = arith.constant 11 : i32
        %get3A_218 = arith.index_cast %get3A_217 : i32 to index
        %get3A_219 = arith.index_cast %mul3A_216 : i32 to index
        %get3A_220 = tpu.vector_load %arg5[%get3A_218, %get3A_219] {strides = array<i32>} : memref<16x1105xf32, #tpu.memory_space<vmem>>, vector<16xf32>,
        %scatter3A_221 = tpu.memref_slice %arg7[%mul3A_139] : memref<16384xf32, #tpu.memory_space<vmem>> -> memref<256xf32, #tpu.memory_space<vmem>>
        tpu.vector_store_idx %scatter3A_221[%add3A_72], %get3A_220 : memref<256xf32, #tpu.memory_space<vmem>>[vector<16xi32>], vector<16xf32>,
        %mul3A_222 = arith.constant 16 : i32
        %mul3A_223 = arith.muli %scan3A_135, %mul3A_222 : i32
        %get3A_224 = arith.constant 12 : i32
        %get3A_225 = arith.index_cast %get3A_224 : i32 to index
        %get3A_226 = arith.index_cast %mul3A_223 : i32 to index
        %get3A_227 = tpu.vector_load %arg5[%get3A_225, %get3A_226] {strides = array<i32>} : memref<16x1105xf32, #tpu.memory_space<vmem>>, vector<16xf32>,
        %scatter3A_228 = tpu.memref_slice %arg7[%mul3A_139] : memref<16384xf32, #tpu.memory_space<vmem>> -> memref<256xf32, #tpu.memory_space<vmem>>
        tpu.vector_store_idx %scatter3A_228[%add3A_78], %get3A_227 : memref<256xf32, #tpu.memory_space<vmem>>[vector<16xi32>], vector<16xf32>,
        %mul3A_229 = arith.constant 16 : i32
        %mul3A_230 = arith.muli %scan3A_135, %mul3A_229 : i32
        %get3A_231 = arith.constant 13 : i32
        %get3A_232 = arith.index_cast %get3A_231 : i32 to index
        %get3A_233 = arith.index_cast %mul3A_230 : i32 to index
        %get3A_234 = tpu.vector_load %arg5[%get3A_232, %get3A_233] {strides = array<i32>} : memref<16x1105xf32, #tpu.memory_space<vmem>>, vector<16xf32>,
        %scatter3A_235 = tpu.memref_slice %arg7[%mul3A_139] : memref<16384xf32, #tpu.memory_space<vmem>> -> memref<256xf32, #tpu.memory_space<vmem>>
        tpu.vector_store_idx %scatter3A_235[%add3A_84], %get3A_234 : memref<256xf32, #tpu.memory_space<vmem>>[vector<16xi32>], vector<16xf32>,
        %mul3A_236 = arith.constant 16 : i32
        %mul3A_237 = arith.muli %scan3A_135, %mul3A_236 : i32
        %get3A_238 = arith.constant 14 : i32
        %get3A_239 = arith.index_cast %get3A_238 : i32 to index
        %get3A_240 = arith.index_cast %mul3A_237 : i32 to index
        %get3A_241 = tpu.vector_load %arg5[%get3A_239, %get3A_240] {strides = array<i32>} : memref<16x1105xf32, #tpu.memory_space<vmem>>, vector<16xf32>,
        %scatter3A_242 = tpu.memref_slice %arg7[%mul3A_139] : memref<16384xf32, #tpu.memory_space<vmem>> -> memref<256xf32, #tpu.memory_space<vmem>>
        tpu.vector_store_idx %scatter3A_242[%add3A_90], %get3A_241 : memref<256xf32, #tpu.memory_space<vmem>>[vector<16xi32>], vector<16xf32>,
        %mul3A_243 = arith.constant 16 : i32
        %mul3A_244 = arith.muli %scan3A_135, %mul3A_243 : i32
        %get3A_245 = arith.constant 15 : i32
        %get3A_246 = arith.index_cast %get3A_245 : i32 to index
        %get3A_247 = arith.index_cast %mul3A_244 : i32 to index
        %get3A_248 = tpu.vector_load %arg5[%get3A_246, %get3A_247] {strides = array<i32>} : memref<16x1105xf32, #tpu.memory_space<vmem>>, vector<16xf32>,
        %scatter3A_249 = tpu.memref_slice %arg7[%mul3A_139] : memref<16384xf32, #tpu.memory_space<vmem>> -> memref<256xf32, #tpu.memory_space<vmem>>
        tpu.vector_store_idx %scatter3A_249[%add3A_96], %get3A_248 : memref<256xf32, #tpu.memory_space<vmem>>[vector<16xi32>], vector<16xf32>,
      }
      %scan3A_134 = arith.constant 4 : i32
      "tpu.region"() ({
        %run_scoped3A = tpu.sem_alloc : memref<!tpu.dma_semaphore, #tpu.memory_space<semaphore_mem>>
        %dma_start3A = arith.constant 0 : i32
        %dma_start3A_135 = tpu.memref_slice %arg7[%dma_start3A] : memref<16384xf32, #tpu.memory_space<vmem>> -> memref<1024xf32, #tpu.memory_space<vmem>>
        %dma_start3A_136 = arith.constant 41598976 : i32
        %dma_start3A_137 = tpu.memref_slice %arg4[%dma_start3A_136] : memref<41600000xf32, #tpu.memory_space<hbm>> -> memref<1024xf32, #tpu.memory_space<hbm>>
        %dma_start3A_138 = arith.constant 41598976 : i32
        %dma_start3A_139 = tpu.memref_slice %arg4[%dma_start3A_138] : memref<41600000xf32, #tpu.memory_space<hbm>> -> memref<1024xf32, #tpu.memory_space<hbm>>
        %dma_start3A_140 = arith.constant 0 : i32
        %dma_start3A_141 = tpu.memref_slice %arg7[%dma_start3A_140] : memref<16384xf32, #tpu.memory_space<vmem>> -> memref<1024xf32, #tpu.memory_space<vmem>>
        tpu.enqueue_dma source(%dma_start3A_141 : memref<1024xf32, #tpu.memory_space<vmem>>) target(%dma_start3A_139 : memref<1024xf32, #tpu.memory_space<hbm>>) target_semaphore(%run_scoped3A : memref<!tpu.dma_semaphore, #tpu.memory_space<semaphore_mem>>)
        %dma_wait3A = arith.constant 0 : i32
        %dma_wait3A_142 = tpu.memref_slice %arg7[%dma_wait3A] : memref<16384xf32, #tpu.memory_space<vmem>> -> memref<1024xf32, #tpu.memory_space<vmem>>
        %dma_wait3A_143 = arith.constant 41598976 : i32
        %dma_wait3A_144 = tpu.memref_slice %arg4[%dma_wait3A_143] : memref<41600000xf32, #tpu.memory_space<hbm>> -> memref<1024xf32, #tpu.memory_space<hbm>>
        %dma_wait3A_145 = arith.constant 41598976 : i32
        %dma_wait3A_146 = tpu.memref_slice %arg4[%dma_wait3A_145] : memref<41600000xf32, #tpu.memory_space<hbm>> -> memref<1024xf32, #tpu.memory_space<hbm>>
        %dma_wait3A_147 = arith.constant 0 : i32
        %dma_wait3A_148 = tpu.memref_slice %arg7[%dma_wait3A_147] : memref<16384xf32, #tpu.memory_space<vmem>> -> memref<1024xf32, #tpu.memory_space<vmem>>
        tpu.wait_dma2 semaphore(%run_scoped3A : memref<!tpu.dma_semaphore, #tpu.memory_space<semaphore_mem>>) src(%dma_wait3A_148 : memref<1024xf32, #tpu.memory_space<vmem>>) dst(%dma_wait3A_146 : memref<1024xf32, #tpu.memory_space<hbm>>)
        tpu.yield
      }) : () -> ()
    } else {
    }
    return
  }
}

#map = affine_map<(d0, d1) -> (0, 0)>
module attributes {stable_mosaic.version = 14 : i64} {
  func.func @k(%arg0: i32, %arg1: i32, %arg2: memref<3328x128xi32, #tpu.memory_space<hbm>>, %arg3: memref<2600000x16xf32, #tpu.memory_space<hbm>>, %arg4: memref<16384x16xf32, #tpu.memory_space<hbm>>, %arg5: memref<104x128xi32, #tpu.memory_space<vmem>>, %arg6: memref<3328x16xf32, #tpu.memory_space<vmem>>, %arg7: memref<512x16xf32, #tpu.memory_space<vmem>>, %arg8: memref<!tpu.dma_semaphore, #tpu.memory_space<semaphore_mem>>) attributes {dimension_semantics = [#tpu.dimension_semantics<core_parallel>, #tpu.dimension_semantics<subcore_parallel>], iteration_bounds = array<i64: 2, 16>, scalar_prefetch = 0 : i64, scratch_operands = 4 : i64, tpu.core_type = #tpu.core_type<sc_vector_subcore>, window_params = [{transform_indices = #map}, {transform_indices = #map}, {transform_indices = #map}]} {
    %mul3A = arith.constant 2 : i32
    %mul3A_0 = arith.muli %arg1, %mul3A : i32
    %add3A = arith.addi %mul3A_0, %arg0 : i32
    %iota3A = tpu.iota {dimensions = array<i32: 0>} : vector<16xi32>
    %mul3A_1 = arith.constant 104 : i32
    %mul3A_2 = arith.muli %add3A, %mul3A_1 : i32
    "tpu.region"() ({
      %run_scoped3A = tpu.sem_alloc : memref<!tpu.dma_semaphore, #tpu.memory_space<semaphore_mem>>
      %dma_start3A = arith.constant 0 : i32
      %dma_start3A_14 = tpu.memref_slice %arg2[%mul3A_2, %dma_start3A] : memref<3328x128xi32, #tpu.memory_space<hbm>> -> memref<104x128xi32, #tpu.memory_space<hbm>>
      %dma_start3A_15 = arith.constant 0 : i32
      %dma_start3A_16 = tpu.memref_slice %arg2[%mul3A_2, %dma_start3A_15] : memref<3328x128xi32, #tpu.memory_space<hbm>> -> memref<104x128xi32, #tpu.memory_space<hbm>>
      tpu.enqueue_dma source(%dma_start3A_16 : memref<104x128xi32, #tpu.memory_space<hbm>>) target(%arg5 : memref<104x128xi32, #tpu.memory_space<vmem>>) target_semaphore(%run_scoped3A : memref<!tpu.dma_semaphore, #tpu.memory_space<semaphore_mem>>)
      %dma_wait3A = arith.constant 0 : i32
      %dma_wait3A_17 = tpu.memref_slice %arg2[%mul3A_2, %dma_wait3A] : memref<3328x128xi32, #tpu.memory_space<hbm>> -> memref<104x128xi32, #tpu.memory_space<hbm>>
      %dma_wait3A_18 = arith.constant 0 : i32
      %dma_wait3A_19 = tpu.memref_slice %arg2[%mul3A_2, %dma_wait3A_18] : memref<3328x128xi32, #tpu.memory_space<hbm>> -> memref<104x128xi32, #tpu.memory_space<hbm>>
      tpu.wait_dma2 semaphore(%run_scoped3A : memref<!tpu.dma_semaphore, #tpu.memory_space<semaphore_mem>>) src(%dma_wait3A_19 : memref<104x128xi32, #tpu.memory_space<hbm>>) dst(%arg5 : memref<104x128xi32, #tpu.memory_space<vmem>>)
      tpu.yield
    }) : () -> ()
    %scan3A = arith.constant 0 : i32
    %scan3A_3 = arith.constant 104 : i32
    %scan3A_4 = arith.addi %scan3A, %scan3A_3 : i32
    %scan3A_5 = arith.constant 1 : i32
    scf.for %scan3A_14 = %scan3A to %scan3A_4 step %scan3A_5  : i32 {
      %mul3A_15 = arith.constant 128 : i32
      %mul3A_16 = arith.muli %scan3A_14, %mul3A_15 : i32
      %add3A_17 = arith.constant 0 : i32
      %add3A_18 = arith.addi %mul3A_16, %add3A_17 : i32
      %add3A_19 = vector.broadcast %add3A_18 : i32 to vector<16xi32>
      %add3A_20 = arith.addi %iota3A, %add3A_19 : vector<16xi32>
      %rem3A = arith.constant 26 : i32
      %rem3A_21 = vector.broadcast %rem3A : i32 to vector<16xi32>
      %rem3A_22 = arith.remsi %add3A_20, %rem3A_21 : vector<16xi32>
      %get3A = arith.index_cast %scan3A_14 : i32 to index
      %get3A_23 = arith.constant 0 : index
      %get3A_24 = tpu.vector_load %arg5[%get3A, %get3A_23] {strides = array<i32>} : memref<104x128xi32, #tpu.memory_space<vmem>>, vector<1x16xi32>,
      %get3A_25 = vector.shape_cast %get3A_24 : vector<1x16xi32> to vector<16xi32>
      %mul3A_26 = arith.constant 100000 : i32
      %mul3A_27 = vector.broadcast %mul3A_26 : i32 to vector<16xi32>
      %mul3A_28 = arith.muli %rem3A_22, %mul3A_27 : vector<16xi32>
      %add3A_29 = arith.addi %get3A_25, %mul3A_28 : vector<16xi32>
      %swap3A = arith.index_cast %scan3A_14 : i32 to index
      %swap3A_30 = arith.constant 0 : index
      %swap3A_31 = tpu.vector_load %arg5[%swap3A, %swap3A_30] {strides = array<i32>} : memref<104x128xi32, #tpu.memory_space<vmem>>, vector<1x16xi32>,
      %swap3A_32 = vector.shape_cast %swap3A_31 : vector<1x16xi32> to vector<16xi32>
      %swap3A_33 = vector.shape_cast %add3A_29 : vector<16xi32> to vector<1x16xi32>
      tpu.vector_store %arg5[%swap3A, %swap3A_30], %swap3A_33 {strides = array<i32>} : memref<104x128xi32, #tpu.memory_space<vmem>>, vector<1x16xi32>,
      %mul3A_34 = arith.constant 128 : i32
      %mul3A_35 = arith.muli %scan3A_14, %mul3A_34 : i32
      %add3A_36 = arith.constant 16 : i32
      %add3A_37 = arith.addi %mul3A_35, %add3A_36 : i32
      %add3A_38 = vector.broadcast %add3A_37 : i32 to vector<16xi32>
      %add3A_39 = arith.addi %iota3A, %add3A_38 : vector<16xi32>
      %rem3A_40 = arith.constant 26 : i32
      %rem3A_41 = vector.broadcast %rem3A_40 : i32 to vector<16xi32>
      %rem3A_42 = arith.remsi %add3A_39, %rem3A_41 : vector<16xi32>
      %get3A_43 = arith.index_cast %scan3A_14 : i32 to index
      %get3A_44 = arith.constant 16 : index
      %get3A_45 = tpu.vector_load %arg5[%get3A_43, %get3A_44] {strides = array<i32>} : memref<104x128xi32, #tpu.memory_space<vmem>>, vector<1x16xi32>,
      %get3A_46 = vector.shape_cast %get3A_45 : vector<1x16xi32> to vector<16xi32>
      %mul3A_47 = arith.constant 100000 : i32
      %mul3A_48 = vector.broadcast %mul3A_47 : i32 to vector<16xi32>
      %mul3A_49 = arith.muli %rem3A_42, %mul3A_48 : vector<16xi32>
      %add3A_50 = arith.addi %get3A_46, %mul3A_49 : vector<16xi32>
      %swap3A_51 = arith.index_cast %scan3A_14 : i32 to index
      %swap3A_52 = arith.constant 16 : index
      %swap3A_53 = tpu.vector_load %arg5[%swap3A_51, %swap3A_52] {strides = array<i32>} : memref<104x128xi32, #tpu.memory_space<vmem>>, vector<1x16xi32>,
      %swap3A_54 = vector.shape_cast %swap3A_53 : vector<1x16xi32> to vector<16xi32>
      %swap3A_55 = vector.shape_cast %add3A_50 : vector<16xi32> to vector<1x16xi32>
      tpu.vector_store %arg5[%swap3A_51, %swap3A_52], %swap3A_55 {strides = array<i32>} : memref<104x128xi32, #tpu.memory_space<vmem>>, vector<1x16xi32>,
      %mul3A_56 = arith.constant 128 : i32
      %mul3A_57 = arith.muli %scan3A_14, %mul3A_56 : i32
      %add3A_58 = arith.constant 32 : i32
      %add3A_59 = arith.addi %mul3A_57, %add3A_58 : i32
      %add3A_60 = vector.broadcast %add3A_59 : i32 to vector<16xi32>
      %add3A_61 = arith.addi %iota3A, %add3A_60 : vector<16xi32>
      %rem3A_62 = arith.constant 26 : i32
      %rem3A_63 = vector.broadcast %rem3A_62 : i32 to vector<16xi32>
      %rem3A_64 = arith.remsi %add3A_61, %rem3A_63 : vector<16xi32>
      %get3A_65 = arith.index_cast %scan3A_14 : i32 to index
      %get3A_66 = arith.constant 32 : index
      %get3A_67 = tpu.vector_load %arg5[%get3A_65, %get3A_66] {strides = array<i32>} : memref<104x128xi32, #tpu.memory_space<vmem>>, vector<1x16xi32>,
      %get3A_68 = vector.shape_cast %get3A_67 : vector<1x16xi32> to vector<16xi32>
      %mul3A_69 = arith.constant 100000 : i32
      %mul3A_70 = vector.broadcast %mul3A_69 : i32 to vector<16xi32>
      %mul3A_71 = arith.muli %rem3A_64, %mul3A_70 : vector<16xi32>
      %add3A_72 = arith.addi %get3A_68, %mul3A_71 : vector<16xi32>
      %swap3A_73 = arith.index_cast %scan3A_14 : i32 to index
      %swap3A_74 = arith.constant 32 : index
      %swap3A_75 = tpu.vector_load %arg5[%swap3A_73, %swap3A_74] {strides = array<i32>} : memref<104x128xi32, #tpu.memory_space<vmem>>, vector<1x16xi32>,
      %swap3A_76 = vector.shape_cast %swap3A_75 : vector<1x16xi32> to vector<16xi32>
      %swap3A_77 = vector.shape_cast %add3A_72 : vector<16xi32> to vector<1x16xi32>
      tpu.vector_store %arg5[%swap3A_73, %swap3A_74], %swap3A_77 {strides = array<i32>} : memref<104x128xi32, #tpu.memory_space<vmem>>, vector<1x16xi32>,
      %mul3A_78 = arith.constant 128 : i32
      %mul3A_79 = arith.muli %scan3A_14, %mul3A_78 : i32
      %add3A_80 = arith.constant 48 : i32
      %add3A_81 = arith.addi %mul3A_79, %add3A_80 : i32
      %add3A_82 = vector.broadcast %add3A_81 : i32 to vector<16xi32>
      %add3A_83 = arith.addi %iota3A, %add3A_82 : vector<16xi32>
      %rem3A_84 = arith.constant 26 : i32
      %rem3A_85 = vector.broadcast %rem3A_84 : i32 to vector<16xi32>
      %rem3A_86 = arith.remsi %add3A_83, %rem3A_85 : vector<16xi32>
      %get3A_87 = arith.index_cast %scan3A_14 : i32 to index
      %get3A_88 = arith.constant 48 : index
      %get3A_89 = tpu.vector_load %arg5[%get3A_87, %get3A_88] {strides = array<i32>} : memref<104x128xi32, #tpu.memory_space<vmem>>, vector<1x16xi32>,
      %get3A_90 = vector.shape_cast %get3A_89 : vector<1x16xi32> to vector<16xi32>
      %mul3A_91 = arith.constant 100000 : i32
      %mul3A_92 = vector.broadcast %mul3A_91 : i32 to vector<16xi32>
      %mul3A_93 = arith.muli %rem3A_86, %mul3A_92 : vector<16xi32>
      %add3A_94 = arith.addi %get3A_90, %mul3A_93 : vector<16xi32>
      %swap3A_95 = arith.index_cast %scan3A_14 : i32 to index
      %swap3A_96 = arith.constant 48 : index
      %swap3A_97 = tpu.vector_load %arg5[%swap3A_95, %swap3A_96] {strides = array<i32>} : memref<104x128xi32, #tpu.memory_space<vmem>>, vector<1x16xi32>,
      %swap3A_98 = vector.shape_cast %swap3A_97 : vector<1x16xi32> to vector<16xi32>
      %swap3A_99 = vector.shape_cast %add3A_94 : vector<16xi32> to vector<1x16xi32>
      tpu.vector_store %arg5[%swap3A_95, %swap3A_96], %swap3A_99 {strides = array<i32>} : memref<104x128xi32, #tpu.memory_space<vmem>>, vector<1x16xi32>,
      %mul3A_100 = arith.constant 128 : i32
      %mul3A_101 = arith.muli %scan3A_14, %mul3A_100 : i32
      %add3A_102 = arith.constant 64 : i32
      %add3A_103 = arith.addi %mul3A_101, %add3A_102 : i32
      %add3A_104 = vector.broadcast %add3A_103 : i32 to vector<16xi32>
      %add3A_105 = arith.addi %iota3A, %add3A_104 : vector<16xi32>
      %rem3A_106 = arith.constant 26 : i32
      %rem3A_107 = vector.broadcast %rem3A_106 : i32 to vector<16xi32>
      %rem3A_108 = arith.remsi %add3A_105, %rem3A_107 : vector<16xi32>
      %get3A_109 = arith.index_cast %scan3A_14 : i32 to index
      %get3A_110 = arith.constant 64 : index
      %get3A_111 = tpu.vector_load %arg5[%get3A_109, %get3A_110] {strides = array<i32>} : memref<104x128xi32, #tpu.memory_space<vmem>>, vector<1x16xi32>,
      %get3A_112 = vector.shape_cast %get3A_111 : vector<1x16xi32> to vector<16xi32>
      %mul3A_113 = arith.constant 100000 : i32
      %mul3A_114 = vector.broadcast %mul3A_113 : i32 to vector<16xi32>
      %mul3A_115 = arith.muli %rem3A_108, %mul3A_114 : vector<16xi32>
      %add3A_116 = arith.addi %get3A_112, %mul3A_115 : vector<16xi32>
      %swap3A_117 = arith.index_cast %scan3A_14 : i32 to index
      %swap3A_118 = arith.constant 64 : index
      %swap3A_119 = tpu.vector_load %arg5[%swap3A_117, %swap3A_118] {strides = array<i32>} : memref<104x128xi32, #tpu.memory_space<vmem>>, vector<1x16xi32>,
      %swap3A_120 = vector.shape_cast %swap3A_119 : vector<1x16xi32> to vector<16xi32>
      %swap3A_121 = vector.shape_cast %add3A_116 : vector<16xi32> to vector<1x16xi32>
      tpu.vector_store %arg5[%swap3A_117, %swap3A_118], %swap3A_121 {strides = array<i32>} : memref<104x128xi32, #tpu.memory_space<vmem>>, vector<1x16xi32>,
      %mul3A_122 = arith.constant 128 : i32
      %mul3A_123 = arith.muli %scan3A_14, %mul3A_122 : i32
      %add3A_124 = arith.constant 80 : i32
      %add3A_125 = arith.addi %mul3A_123, %add3A_124 : i32
      %add3A_126 = vector.broadcast %add3A_125 : i32 to vector<16xi32>
      %add3A_127 = arith.addi %iota3A, %add3A_126 : vector<16xi32>
      %rem3A_128 = arith.constant 26 : i32
      %rem3A_129 = vector.broadcast %rem3A_128 : i32 to vector<16xi32>
      %rem3A_130 = arith.remsi %add3A_127, %rem3A_129 : vector<16xi32>
      %get3A_131 = arith.index_cast %scan3A_14 : i32 to index
      %get3A_132 = arith.constant 80 : index
      %get3A_133 = tpu.vector_load %arg5[%get3A_131, %get3A_132] {strides = array<i32>} : memref<104x128xi32, #tpu.memory_space<vmem>>, vector<1x16xi32>,
      %get3A_134 = vector.shape_cast %get3A_133 : vector<1x16xi32> to vector<16xi32>
      %mul3A_135 = arith.constant 100000 : i32
      %mul3A_136 = vector.broadcast %mul3A_135 : i32 to vector<16xi32>
      %mul3A_137 = arith.muli %rem3A_130, %mul3A_136 : vector<16xi32>
      %add3A_138 = arith.addi %get3A_134, %mul3A_137 : vector<16xi32>
      %swap3A_139 = arith.index_cast %scan3A_14 : i32 to index
      %swap3A_140 = arith.constant 80 : index
      %swap3A_141 = tpu.vector_load %arg5[%swap3A_139, %swap3A_140] {strides = array<i32>} : memref<104x128xi32, #tpu.memory_space<vmem>>, vector<1x16xi32>,
      %swap3A_142 = vector.shape_cast %swap3A_141 : vector<1x16xi32> to vector<16xi32>
      %swap3A_143 = vector.shape_cast %add3A_138 : vector<16xi32> to vector<1x16xi32>
      tpu.vector_store %arg5[%swap3A_139, %swap3A_140], %swap3A_143 {strides = array<i32>} : memref<104x128xi32, #tpu.memory_space<vmem>>, vector<1x16xi32>,
      %mul3A_144 = arith.constant 128 : i32
      %mul3A_145 = arith.muli %scan3A_14, %mul3A_144 : i32
      %add3A_146 = arith.constant 96 : i32
      %add3A_147 = arith.addi %mul3A_145, %add3A_146 : i32
      %add3A_148 = vector.broadcast %add3A_147 : i32 to vector<16xi32>
      %add3A_149 = arith.addi %iota3A, %add3A_148 : vector<16xi32>
      %rem3A_150 = arith.constant 26 : i32
      %rem3A_151 = vector.broadcast %rem3A_150 : i32 to vector<16xi32>
      %rem3A_152 = arith.remsi %add3A_149, %rem3A_151 : vector<16xi32>
      %get3A_153 = arith.index_cast %scan3A_14 : i32 to index
      %get3A_154 = arith.constant 96 : index
      %get3A_155 = tpu.vector_load %arg5[%get3A_153, %get3A_154] {strides = array<i32>} : memref<104x128xi32, #tpu.memory_space<vmem>>, vector<1x16xi32>,
      %get3A_156 = vector.shape_cast %get3A_155 : vector<1x16xi32> to vector<16xi32>
      %mul3A_157 = arith.constant 100000 : i32
      %mul3A_158 = vector.broadcast %mul3A_157 : i32 to vector<16xi32>
      %mul3A_159 = arith.muli %rem3A_152, %mul3A_158 : vector<16xi32>
      %add3A_160 = arith.addi %get3A_156, %mul3A_159 : vector<16xi32>
      %swap3A_161 = arith.index_cast %scan3A_14 : i32 to index
      %swap3A_162 = arith.constant 96 : index
      %swap3A_163 = tpu.vector_load %arg5[%swap3A_161, %swap3A_162] {strides = array<i32>} : memref<104x128xi32, #tpu.memory_space<vmem>>, vector<1x16xi32>,
      %swap3A_164 = vector.shape_cast %swap3A_163 : vector<1x16xi32> to vector<16xi32>
      %swap3A_165 = vector.shape_cast %add3A_160 : vector<16xi32> to vector<1x16xi32>
      tpu.vector_store %arg5[%swap3A_161, %swap3A_162], %swap3A_165 {strides = array<i32>} : memref<104x128xi32, #tpu.memory_space<vmem>>, vector<1x16xi32>,
      %mul3A_166 = arith.constant 128 : i32
      %mul3A_167 = arith.muli %scan3A_14, %mul3A_166 : i32
      %add3A_168 = arith.constant 112 : i32
      %add3A_169 = arith.addi %mul3A_167, %add3A_168 : i32
      %add3A_170 = vector.broadcast %add3A_169 : i32 to vector<16xi32>
      %add3A_171 = arith.addi %iota3A, %add3A_170 : vector<16xi32>
      %rem3A_172 = arith.constant 26 : i32
      %rem3A_173 = vector.broadcast %rem3A_172 : i32 to vector<16xi32>
      %rem3A_174 = arith.remsi %add3A_171, %rem3A_173 : vector<16xi32>
      %get3A_175 = arith.index_cast %scan3A_14 : i32 to index
      %get3A_176 = arith.constant 112 : index
      %get3A_177 = tpu.vector_load %arg5[%get3A_175, %get3A_176] {strides = array<i32>} : memref<104x128xi32, #tpu.memory_space<vmem>>, vector<1x16xi32>,
      %get3A_178 = vector.shape_cast %get3A_177 : vector<1x16xi32> to vector<16xi32>
      %mul3A_179 = arith.constant 100000 : i32
      %mul3A_180 = vector.broadcast %mul3A_179 : i32 to vector<16xi32>
      %mul3A_181 = arith.muli %rem3A_174, %mul3A_180 : vector<16xi32>
      %add3A_182 = arith.addi %get3A_178, %mul3A_181 : vector<16xi32>
      %swap3A_183 = arith.index_cast %scan3A_14 : i32 to index
      %swap3A_184 = arith.constant 112 : index
      %swap3A_185 = tpu.vector_load %arg5[%swap3A_183, %swap3A_184] {strides = array<i32>} : memref<104x128xi32, #tpu.memory_space<vmem>>, vector<1x16xi32>,
      %swap3A_186 = vector.shape_cast %swap3A_185 : vector<1x16xi32> to vector<16xi32>
      %swap3A_187 = vector.shape_cast %add3A_182 : vector<16xi32> to vector<1x16xi32>
      tpu.vector_store %arg5[%swap3A_183, %swap3A_184], %swap3A_187 {strides = array<i32>} : memref<104x128xi32, #tpu.memory_space<vmem>>, vector<1x16xi32>,
    }
    %scan3A_6 = arith.constant 104 : i32
    %scan3A_7 = arith.constant 0 : i32
    %scan3A_8 = arith.constant 4 : i32
    %scan3A_9 = arith.addi %scan3A_7, %scan3A_8 : i32
    %scan3A_10 = arith.constant 1 : i32
    scf.for %scan3A_14 = %scan3A_7 to %scan3A_9 step %scan3A_10  : i32 {
      %mul3A_15 = arith.constant 26 : i32
      %mul3A_16 = arith.muli %scan3A_14, %mul3A_15 : i32
      %scan3A_17 = arith.constant 0 : i32
      %scan3A_18 = arith.constant 26 : i32
      %scan3A_19 = arith.addi %scan3A_17, %scan3A_18 : i32
      %scan3A_20 = arith.constant 1 : i32
      scf.for %scan3A_32 = %scan3A_17 to %scan3A_19 step %scan3A_20  : i32 {
        %add3A_33 = arith.addi %mul3A_16, %scan3A_32 : i32
        %mul3A_34 = arith.constant 128 : i32
        %mul3A_35 = arith.muli %scan3A_32, %mul3A_34 : i32
        %dma_start3A = arith.constant 0 : i32
        %dma_start3A_36 = tpu.memref_slice %arg6[%mul3A_35, %dma_start3A] : memref<3328x16xf32, #tpu.memory_space<vmem>> -> memref<128x16xf32, #tpu.memory_space<vmem>>
        %dma_start3A_37 = arith.constant 0 : i32
        %dma_start3A_38 = tpu.memref_slice %arg5[%add3A_33, %dma_start3A_37] : memref<104x128xi32, #tpu.memory_space<vmem>> -> memref<1x128xi32, #tpu.memory_space<vmem>>
        %dma_start3A_39 = tpu.memref_squeeze %dma_start3A_38 : memref<1x128xi32, #tpu.memory_space<vmem>> -> memref<128xi32, #tpu.memory_space<vmem>>
        %dma_start3A_40 = arith.constant 0 : i32
        %dma_start3A_41 = arith.constant 0 : i32
        %dma_start3A_42 = tpu.memref_slice %arg3[%dma_start3A_40, %dma_start3A_41] : memref<2600000x16xf32, #tpu.memory_space<hbm>> -> memref<2600000x16xf32, #tpu.memory_space<hbm>>
        tpu.enqueue_indirect_dma source(%dma_start3A_42 : memref<2600000x16xf32, #tpu.memory_space<hbm>>) target(%dma_start3A_36 : memref<128x16xf32, #tpu.memory_space<vmem>>) offsets(%dma_start3A_39 : memref<128xi32, #tpu.memory_space<vmem>>) semaphore(%arg8 : memref<!tpu.dma_semaphore, #tpu.memory_space<semaphore_mem>>)
      }
      %scan3A_21 = arith.constant 26 : i32
      %scan3A_22 = arith.constant 0 : i32
      %scan3A_23 = arith.constant 26 : i32
      %scan3A_24 = arith.addi %scan3A_22, %scan3A_23 : i32
      %scan3A_25 = arith.constant 1 : i32
      scf.for %scan3A_32 = %scan3A_22 to %scan3A_24 step %scan3A_25  : i32 {
        %add3A_33 = arith.addi %mul3A_16, %scan3A_32 : i32
        %mul3A_34 = arith.constant 128 : i32
        %mul3A_35 = arith.muli %scan3A_32, %mul3A_34 : i32
        %dma_wait3A = arith.constant 0 : i32
        %dma_wait3A_36 = tpu.memref_slice %arg6[%mul3A_35, %dma_wait3A] : memref<3328x16xf32, #tpu.memory_space<vmem>> -> memref<128x16xf32, #tpu.memory_space<vmem>>
        %dma_wait3A_37 = arith.constant 0 : i32
        %dma_wait3A_38 = tpu.memref_slice %arg5[%add3A_33, %dma_wait3A_37] : memref<104x128xi32, #tpu.memory_space<vmem>> -> memref<1x128xi32, #tpu.memory_space<vmem>>
        %dma_wait3A_39 = tpu.memref_squeeze %dma_wait3A_38 : memref<1x128xi32, #tpu.memory_space<vmem>> -> memref<128xi32, #tpu.memory_space<vmem>>
        %dma_wait3A_40 = arith.constant 0 : i32
        %dma_wait3A_41 = arith.constant 0 : i32
        %dma_wait3A_42 = tpu.memref_slice %arg3[%dma_wait3A_40, %dma_wait3A_41] : memref<2600000x16xf32, #tpu.memory_space<hbm>> -> memref<2600000x16xf32, #tpu.memory_space<hbm>>
        tpu.wait_indirect_dma semaphore(%arg8 : memref<!tpu.dma_semaphore, #tpu.memory_space<semaphore_mem>>) src(%dma_wait3A_42 : memref<2600000x16xf32, #tpu.memory_space<hbm>>) dst(%dma_wait3A_36 : memref<128x16xf32, #tpu.memory_space<vmem>>)
      }
      %scan3A_26 = arith.constant 26 : i32
      %scan3A_27 = arith.constant 0 : i32
      %scan3A_28 = arith.constant 128 : i32
      %scan3A_29 = arith.addi %scan3A_27, %scan3A_28 : i32
      %scan3A_30 = arith.constant 1 : i32
      scf.for %scan3A_32 = %scan3A_27 to %scan3A_29 step %scan3A_30  : i32 {
        %mul3A_33 = arith.constant 26 : i32
        %mul3A_34 = arith.muli %scan3A_32, %mul3A_33 : i32
        %get3A = arith.index_cast %mul3A_34 : i32 to index
        %get3A_35 = arith.constant 0 : index
        %get3A_36 = tpu.vector_load %arg6[%get3A, %get3A_35] {strides = array<i32>} : memref<3328x16xf32, #tpu.memory_space<vmem>>, vector<1x16xf32>,
        %get3A_37 = vector.shape_cast %get3A_36 : vector<1x16xf32> to vector<16xf32>
        %mul3A_38 = arith.mulf %get3A_37, %get3A_37 : vector<16xf32>
        %add3A_39 = arith.constant 1 : i32
        %add3A_40 = arith.addi %mul3A_34, %add3A_39 : i32
        %get3A_41 = arith.index_cast %add3A_40 : i32 to index
        %get3A_42 = arith.constant 0 : index
        %get3A_43 = tpu.vector_load %arg6[%get3A_41, %get3A_42] {strides = array<i32>} : memref<3328x16xf32, #tpu.memory_space<vmem>>, vector<1x16xf32>,
        %get3A_44 = vector.shape_cast %get3A_43 : vector<1x16xf32> to vector<16xf32>
        %add3A_45 = arith.addf %get3A_37, %get3A_44 : vector<16xf32>
        %mul3A_46 = arith.mulf %get3A_44, %get3A_44 : vector<16xf32>
        %add3A_47 = arith.addf %mul3A_38, %mul3A_46 : vector<16xf32>
        %add3A_48 = arith.constant 2 : i32
        %add3A_49 = arith.addi %mul3A_34, %add3A_48 : i32
        %get3A_50 = arith.index_cast %add3A_49 : i32 to index
        %get3A_51 = arith.constant 0 : index
        %get3A_52 = tpu.vector_load %arg6[%get3A_50, %get3A_51] {strides = array<i32>} : memref<3328x16xf32, #tpu.memory_space<vmem>>, vector<1x16xf32>,
        %get3A_53 = vector.shape_cast %get3A_52 : vector<1x16xf32> to vector<16xf32>
        %add3A_54 = arith.addf %add3A_45, %get3A_53 : vector<16xf32>
        %mul3A_55 = arith.mulf %get3A_53, %get3A_53 : vector<16xf32>
        %add3A_56 = arith.addf %add3A_47, %mul3A_55 : vector<16xf32>
        %add3A_57 = arith.constant 3 : i32
        %add3A_58 = arith.addi %mul3A_34, %add3A_57 : i32
        %get3A_59 = arith.index_cast %add3A_58 : i32 to index
        %get3A_60 = arith.constant 0 : index
        %get3A_61 = tpu.vector_load %arg6[%get3A_59, %get3A_60] {strides = array<i32>} : memref<3328x16xf32, #tpu.memory_space<vmem>>, vector<1x16xf32>,
        %get3A_62 = vector.shape_cast %get3A_61 : vector<1x16xf32> to vector<16xf32>
        %add3A_63 = arith.addf %add3A_54, %get3A_62 : vector<16xf32>
        %mul3A_64 = arith.mulf %get3A_62, %get3A_62 : vector<16xf32>
        %add3A_65 = arith.addf %add3A_56, %mul3A_64 : vector<16xf32>
        %add3A_66 = arith.constant 4 : i32
        %add3A_67 = arith.addi %mul3A_34, %add3A_66 : i32
        %get3A_68 = arith.index_cast %add3A_67 : i32 to index
        %get3A_69 = arith.constant 0 : index
        %get3A_70 = tpu.vector_load %arg6[%get3A_68, %get3A_69] {strides = array<i32>} : memref<3328x16xf32, #tpu.memory_space<vmem>>, vector<1x16xf32>,
        %get3A_71 = vector.shape_cast %get3A_70 : vector<1x16xf32> to vector<16xf32>
        %add3A_72 = arith.addf %add3A_63, %get3A_71 : vector<16xf32>
        %mul3A_73 = arith.mulf %get3A_71, %get3A_71 : vector<16xf32>
        %add3A_74 = arith.addf %add3A_65, %mul3A_73 : vector<16xf32>
        %add3A_75 = arith.constant 5 : i32
        %add3A_76 = arith.addi %mul3A_34, %add3A_75 : i32
        %get3A_77 = arith.index_cast %add3A_76 : i32 to index
        %get3A_78 = arith.constant 0 : index
        %get3A_79 = tpu.vector_load %arg6[%get3A_77, %get3A_78] {strides = array<i32>} : memref<3328x16xf32, #tpu.memory_space<vmem>>, vector<1x16xf32>,
        %get3A_80 = vector.shape_cast %get3A_79 : vector<1x16xf32> to vector<16xf32>
        %add3A_81 = arith.addf %add3A_72, %get3A_80 : vector<16xf32>
        %mul3A_82 = arith.mulf %get3A_80, %get3A_80 : vector<16xf32>
        %add3A_83 = arith.addf %add3A_74, %mul3A_82 : vector<16xf32>
        %add3A_84 = arith.constant 6 : i32
        %add3A_85 = arith.addi %mul3A_34, %add3A_84 : i32
        %get3A_86 = arith.index_cast %add3A_85 : i32 to index
        %get3A_87 = arith.constant 0 : index
        %get3A_88 = tpu.vector_load %arg6[%get3A_86, %get3A_87] {strides = array<i32>} : memref<3328x16xf32, #tpu.memory_space<vmem>>, vector<1x16xf32>,
        %get3A_89 = vector.shape_cast %get3A_88 : vector<1x16xf32> to vector<16xf32>
        %add3A_90 = arith.addf %add3A_81, %get3A_89 : vector<16xf32>
        %mul3A_91 = arith.mulf %get3A_89, %get3A_89 : vector<16xf32>
        %add3A_92 = arith.addf %add3A_83, %mul3A_91 : vector<16xf32>
        %add3A_93 = arith.constant 7 : i32
        %add3A_94 = arith.addi %mul3A_34, %add3A_93 : i32
        %get3A_95 = arith.index_cast %add3A_94 : i32 to index
        %get3A_96 = arith.constant 0 : index
        %get3A_97 = tpu.vector_load %arg6[%get3A_95, %get3A_96] {strides = array<i32>} : memref<3328x16xf32, #tpu.memory_space<vmem>>, vector<1x16xf32>,
        %get3A_98 = vector.shape_cast %get3A_97 : vector<1x16xf32> to vector<16xf32>
        %add3A_99 = arith.addf %add3A_90, %get3A_98 : vector<16xf32>
        %mul3A_100 = arith.mulf %get3A_98, %get3A_98 : vector<16xf32>
        %add3A_101 = arith.addf %add3A_92, %mul3A_100 : vector<16xf32>
        %add3A_102 = arith.constant 8 : i32
        %add3A_103 = arith.addi %mul3A_34, %add3A_102 : i32
        %get3A_104 = arith.index_cast %add3A_103 : i32 to index
        %get3A_105 = arith.constant 0 : index
        %get3A_106 = tpu.vector_load %arg6[%get3A_104, %get3A_105] {strides = array<i32>} : memref<3328x16xf32, #tpu.memory_space<vmem>>, vector<1x16xf32>,
        %get3A_107 = vector.shape_cast %get3A_106 : vector<1x16xf32> to vector<16xf32>
        %add3A_108 = arith.addf %add3A_99, %get3A_107 : vector<16xf32>
        %mul3A_109 = arith.mulf %get3A_107, %get3A_107 : vector<16xf32>
        %add3A_110 = arith.addf %add3A_101, %mul3A_109 : vector<16xf32>
        %add3A_111 = arith.constant 9 : i32
        %add3A_112 = arith.addi %mul3A_34, %add3A_111 : i32
        %get3A_113 = arith.index_cast %add3A_112 : i32 to index
        %get3A_114 = arith.constant 0 : index
        %get3A_115 = tpu.vector_load %arg6[%get3A_113, %get3A_114] {strides = array<i32>} : memref<3328x16xf32, #tpu.memory_space<vmem>>, vector<1x16xf32>,
        %get3A_116 = vector.shape_cast %get3A_115 : vector<1x16xf32> to vector<16xf32>
        %add3A_117 = arith.addf %add3A_108, %get3A_116 : vector<16xf32>
        %mul3A_118 = arith.mulf %get3A_116, %get3A_116 : vector<16xf32>
        %add3A_119 = arith.addf %add3A_110, %mul3A_118 : vector<16xf32>
        %add3A_120 = arith.constant 10 : i32
        %add3A_121 = arith.addi %mul3A_34, %add3A_120 : i32
        %get3A_122 = arith.index_cast %add3A_121 : i32 to index
        %get3A_123 = arith.constant 0 : index
        %get3A_124 = tpu.vector_load %arg6[%get3A_122, %get3A_123] {strides = array<i32>} : memref<3328x16xf32, #tpu.memory_space<vmem>>, vector<1x16xf32>,
        %get3A_125 = vector.shape_cast %get3A_124 : vector<1x16xf32> to vector<16xf32>
        %add3A_126 = arith.addf %add3A_117, %get3A_125 : vector<16xf32>
        %mul3A_127 = arith.mulf %get3A_125, %get3A_125 : vector<16xf32>
        %add3A_128 = arith.addf %add3A_119, %mul3A_127 : vector<16xf32>
        %add3A_129 = arith.constant 11 : i32
        %add3A_130 = arith.addi %mul3A_34, %add3A_129 : i32
        %get3A_131 = arith.index_cast %add3A_130 : i32 to index
        %get3A_132 = arith.constant 0 : index
        %get3A_133 = tpu.vector_load %arg6[%get3A_131, %get3A_132] {strides = array<i32>} : memref<3328x16xf32, #tpu.memory_space<vmem>>, vector<1x16xf32>,
        %get3A_134 = vector.shape_cast %get3A_133 : vector<1x16xf32> to vector<16xf32>
        %add3A_135 = arith.addf %add3A_126, %get3A_134 : vector<16xf32>
        %mul3A_136 = arith.mulf %get3A_134, %get3A_134 : vector<16xf32>
        %add3A_137 = arith.addf %add3A_128, %mul3A_136 : vector<16xf32>
        %add3A_138 = arith.constant 12 : i32
        %add3A_139 = arith.addi %mul3A_34, %add3A_138 : i32
        %get3A_140 = arith.index_cast %add3A_139 : i32 to index
        %get3A_141 = arith.constant 0 : index
        %get3A_142 = tpu.vector_load %arg6[%get3A_140, %get3A_141] {strides = array<i32>} : memref<3328x16xf32, #tpu.memory_space<vmem>>, vector<1x16xf32>,
        %get3A_143 = vector.shape_cast %get3A_142 : vector<1x16xf32> to vector<16xf32>
        %add3A_144 = arith.addf %add3A_135, %get3A_143 : vector<16xf32>
        %mul3A_145 = arith.mulf %get3A_143, %get3A_143 : vector<16xf32>
        %add3A_146 = arith.addf %add3A_137, %mul3A_145 : vector<16xf32>
        %add3A_147 = arith.constant 13 : i32
        %add3A_148 = arith.addi %mul3A_34, %add3A_147 : i32
        %get3A_149 = arith.index_cast %add3A_148 : i32 to index
        %get3A_150 = arith.constant 0 : index
        %get3A_151 = tpu.vector_load %arg6[%get3A_149, %get3A_150] {strides = array<i32>} : memref<3328x16xf32, #tpu.memory_space<vmem>>, vector<1x16xf32>,
        %get3A_152 = vector.shape_cast %get3A_151 : vector<1x16xf32> to vector<16xf32>
        %add3A_153 = arith.addf %add3A_144, %get3A_152 : vector<16xf32>
        %mul3A_154 = arith.mulf %get3A_152, %get3A_152 : vector<16xf32>
        %add3A_155 = arith.addf %add3A_146, %mul3A_154 : vector<16xf32>
        %add3A_156 = arith.constant 14 : i32
        %add3A_157 = arith.addi %mul3A_34, %add3A_156 : i32
        %get3A_158 = arith.index_cast %add3A_157 : i32 to index
        %get3A_159 = arith.constant 0 : index
        %get3A_160 = tpu.vector_load %arg6[%get3A_158, %get3A_159] {strides = array<i32>} : memref<3328x16xf32, #tpu.memory_space<vmem>>, vector<1x16xf32>,
        %get3A_161 = vector.shape_cast %get3A_160 : vector<1x16xf32> to vector<16xf32>
        %add3A_162 = arith.addf %add3A_153, %get3A_161 : vector<16xf32>
        %mul3A_163 = arith.mulf %get3A_161, %get3A_161 : vector<16xf32>
        %add3A_164 = arith.addf %add3A_155, %mul3A_163 : vector<16xf32>
        %add3A_165 = arith.constant 15 : i32
        %add3A_166 = arith.addi %mul3A_34, %add3A_165 : i32
        %get3A_167 = arith.index_cast %add3A_166 : i32 to index
        %get3A_168 = arith.constant 0 : index
        %get3A_169 = tpu.vector_load %arg6[%get3A_167, %get3A_168] {strides = array<i32>} : memref<3328x16xf32, #tpu.memory_space<vmem>>, vector<1x16xf32>,
        %get3A_170 = vector.shape_cast %get3A_169 : vector<1x16xf32> to vector<16xf32>
        %add3A_171 = arith.addf %add3A_162, %get3A_170 : vector<16xf32>
        %mul3A_172 = arith.mulf %get3A_170, %get3A_170 : vector<16xf32>
        %add3A_173 = arith.addf %add3A_164, %mul3A_172 : vector<16xf32>
        %add3A_174 = arith.constant 16 : i32
        %add3A_175 = arith.addi %mul3A_34, %add3A_174 : i32
        %get3A_176 = arith.index_cast %add3A_175 : i32 to index
        %get3A_177 = arith.constant 0 : index
        %get3A_178 = tpu.vector_load %arg6[%get3A_176, %get3A_177] {strides = array<i32>} : memref<3328x16xf32, #tpu.memory_space<vmem>>, vector<1x16xf32>,
        %get3A_179 = vector.shape_cast %get3A_178 : vector<1x16xf32> to vector<16xf32>
        %add3A_180 = arith.addf %add3A_171, %get3A_179 : vector<16xf32>
        %mul3A_181 = arith.mulf %get3A_179, %get3A_179 : vector<16xf32>
        %add3A_182 = arith.addf %add3A_173, %mul3A_181 : vector<16xf32>
        %add3A_183 = arith.constant 17 : i32
        %add3A_184 = arith.addi %mul3A_34, %add3A_183 : i32
        %get3A_185 = arith.index_cast %add3A_184 : i32 to index
        %get3A_186 = arith.constant 0 : index
        %get3A_187 = tpu.vector_load %arg6[%get3A_185, %get3A_186] {strides = array<i32>} : memref<3328x16xf32, #tpu.memory_space<vmem>>, vector<1x16xf32>,
        %get3A_188 = vector.shape_cast %get3A_187 : vector<1x16xf32> to vector<16xf32>
        %add3A_189 = arith.addf %add3A_180, %get3A_188 : vector<16xf32>
        %mul3A_190 = arith.mulf %get3A_188, %get3A_188 : vector<16xf32>
        %add3A_191 = arith.addf %add3A_182, %mul3A_190 : vector<16xf32>
        %add3A_192 = arith.constant 18 : i32
        %add3A_193 = arith.addi %mul3A_34, %add3A_192 : i32
        %get3A_194 = arith.index_cast %add3A_193 : i32 to index
        %get3A_195 = arith.constant 0 : index
        %get3A_196 = tpu.vector_load %arg6[%get3A_194, %get3A_195] {strides = array<i32>} : memref<3328x16xf32, #tpu.memory_space<vmem>>, vector<1x16xf32>,
        %get3A_197 = vector.shape_cast %get3A_196 : vector<1x16xf32> to vector<16xf32>
        %add3A_198 = arith.addf %add3A_189, %get3A_197 : vector<16xf32>
        %mul3A_199 = arith.mulf %get3A_197, %get3A_197 : vector<16xf32>
        %add3A_200 = arith.addf %add3A_191, %mul3A_199 : vector<16xf32>
        %add3A_201 = arith.constant 19 : i32
        %add3A_202 = arith.addi %mul3A_34, %add3A_201 : i32
        %get3A_203 = arith.index_cast %add3A_202 : i32 to index
        %get3A_204 = arith.constant 0 : index
        %get3A_205 = tpu.vector_load %arg6[%get3A_203, %get3A_204] {strides = array<i32>} : memref<3328x16xf32, #tpu.memory_space<vmem>>, vector<1x16xf32>,
        %get3A_206 = vector.shape_cast %get3A_205 : vector<1x16xf32> to vector<16xf32>
        %add3A_207 = arith.addf %add3A_198, %get3A_206 : vector<16xf32>
        %mul3A_208 = arith.mulf %get3A_206, %get3A_206 : vector<16xf32>
        %add3A_209 = arith.addf %add3A_200, %mul3A_208 : vector<16xf32>
        %add3A_210 = arith.constant 20 : i32
        %add3A_211 = arith.addi %mul3A_34, %add3A_210 : i32
        %get3A_212 = arith.index_cast %add3A_211 : i32 to index
        %get3A_213 = arith.constant 0 : index
        %get3A_214 = tpu.vector_load %arg6[%get3A_212, %get3A_213] {strides = array<i32>} : memref<3328x16xf32, #tpu.memory_space<vmem>>, vector<1x16xf32>,
        %get3A_215 = vector.shape_cast %get3A_214 : vector<1x16xf32> to vector<16xf32>
        %add3A_216 = arith.addf %add3A_207, %get3A_215 : vector<16xf32>
        %mul3A_217 = arith.mulf %get3A_215, %get3A_215 : vector<16xf32>
        %add3A_218 = arith.addf %add3A_209, %mul3A_217 : vector<16xf32>
        %add3A_219 = arith.constant 21 : i32
        %add3A_220 = arith.addi %mul3A_34, %add3A_219 : i32
        %get3A_221 = arith.index_cast %add3A_220 : i32 to index
        %get3A_222 = arith.constant 0 : index
        %get3A_223 = tpu.vector_load %arg6[%get3A_221, %get3A_222] {strides = array<i32>} : memref<3328x16xf32, #tpu.memory_space<vmem>>, vector<1x16xf32>,
        %get3A_224 = vector.shape_cast %get3A_223 : vector<1x16xf32> to vector<16xf32>
        %add3A_225 = arith.addf %add3A_216, %get3A_224 : vector<16xf32>
        %mul3A_226 = arith.mulf %get3A_224, %get3A_224 : vector<16xf32>
        %add3A_227 = arith.addf %add3A_218, %mul3A_226 : vector<16xf32>
        %add3A_228 = arith.constant 22 : i32
        %add3A_229 = arith.addi %mul3A_34, %add3A_228 : i32
        %get3A_230 = arith.index_cast %add3A_229 : i32 to index
        %get3A_231 = arith.constant 0 : index
        %get3A_232 = tpu.vector_load %arg6[%get3A_230, %get3A_231] {strides = array<i32>} : memref<3328x16xf32, #tpu.memory_space<vmem>>, vector<1x16xf32>,
        %get3A_233 = vector.shape_cast %get3A_232 : vector<1x16xf32> to vector<16xf32>
        %add3A_234 = arith.addf %add3A_225, %get3A_233 : vector<16xf32>
        %mul3A_235 = arith.mulf %get3A_233, %get3A_233 : vector<16xf32>
        %add3A_236 = arith.addf %add3A_227, %mul3A_235 : vector<16xf32>
        %add3A_237 = arith.constant 23 : i32
        %add3A_238 = arith.addi %mul3A_34, %add3A_237 : i32
        %get3A_239 = arith.index_cast %add3A_238 : i32 to index
        %get3A_240 = arith.constant 0 : index
        %get3A_241 = tpu.vector_load %arg6[%get3A_239, %get3A_240] {strides = array<i32>} : memref<3328x16xf32, #tpu.memory_space<vmem>>, vector<1x16xf32>,
        %get3A_242 = vector.shape_cast %get3A_241 : vector<1x16xf32> to vector<16xf32>
        %add3A_243 = arith.addf %add3A_234, %get3A_242 : vector<16xf32>
        %mul3A_244 = arith.mulf %get3A_242, %get3A_242 : vector<16xf32>
        %add3A_245 = arith.addf %add3A_236, %mul3A_244 : vector<16xf32>
        %add3A_246 = arith.constant 24 : i32
        %add3A_247 = arith.addi %mul3A_34, %add3A_246 : i32
        %get3A_248 = arith.index_cast %add3A_247 : i32 to index
        %get3A_249 = arith.constant 0 : index
        %get3A_250 = tpu.vector_load %arg6[%get3A_248, %get3A_249] {strides = array<i32>} : memref<3328x16xf32, #tpu.memory_space<vmem>>, vector<1x16xf32>,
        %get3A_251 = vector.shape_cast %get3A_250 : vector<1x16xf32> to vector<16xf32>
        %add3A_252 = arith.addf %add3A_243, %get3A_251 : vector<16xf32>
        %mul3A_253 = arith.mulf %get3A_251, %get3A_251 : vector<16xf32>
        %add3A_254 = arith.addf %add3A_245, %mul3A_253 : vector<16xf32>
        %add3A_255 = arith.constant 25 : i32
        %add3A_256 = arith.addi %mul3A_34, %add3A_255 : i32
        %get3A_257 = arith.index_cast %add3A_256 : i32 to index
        %get3A_258 = arith.constant 0 : index
        %get3A_259 = tpu.vector_load %arg6[%get3A_257, %get3A_258] {strides = array<i32>} : memref<3328x16xf32, #tpu.memory_space<vmem>>, vector<1x16xf32>,
        %get3A_260 = vector.shape_cast %get3A_259 : vector<1x16xf32> to vector<16xf32>
        %add3A_261 = arith.addf %add3A_252, %get3A_260 : vector<16xf32>
        %mul3A_262 = arith.mulf %get3A_260, %get3A_260 : vector<16xf32>
        %add3A_263 = arith.addf %add3A_254, %mul3A_262 : vector<16xf32>
        %mul3A_264 = arith.mulf %add3A_261, %add3A_261 : vector<16xf32>
        %sub3A = arith.subf %mul3A_264, %add3A_263 : vector<16xf32>
        %mul3A_265 = arith.constant 5.000000e-01 : f32
        %mul3A_266 = vector.broadcast %mul3A_265 : f32 to vector<16xf32>
        %mul3A_267 = arith.mulf %mul3A_266, %sub3A : vector<16xf32>
        %mul3A_268 = arith.constant 128 : i32
        %mul3A_269 = arith.muli %scan3A_14, %mul3A_268 : i32
        %add3A_270 = arith.addi %mul3A_269, %scan3A_32 : i32
        %swap3A = arith.index_cast %add3A_270 : i32 to index
        %swap3A_271 = arith.constant 0 : index
        %swap3A_272 = tpu.vector_load %arg7[%swap3A, %swap3A_271] {strides = array<i32>} : memref<512x16xf32, #tpu.memory_space<vmem>>, vector<1x16xf32>,
        %swap3A_273 = vector.shape_cast %swap3A_272 : vector<1x16xf32> to vector<16xf32>
        %swap3A_274 = vector.shape_cast %mul3A_267 : vector<16xf32> to vector<1x16xf32>
        tpu.vector_store %arg7[%swap3A, %swap3A_271], %swap3A_274 {strides = array<i32>} : memref<512x16xf32, #tpu.memory_space<vmem>>, vector<1x16xf32>,
      }
      %scan3A_31 = arith.constant 128 : i32
    }
    %scan3A_11 = arith.constant 4 : i32
    %mul3A_12 = arith.constant 512 : i32
    %mul3A_13 = arith.muli %add3A, %mul3A_12 : i32
    "tpu.region"() ({
      %run_scoped3A = tpu.sem_alloc : memref<!tpu.dma_semaphore, #tpu.memory_space<semaphore_mem>>
      %dma_start3A = arith.constant 0 : i32
      %dma_start3A_14 = tpu.memref_slice %arg4[%mul3A_13, %dma_start3A] : memref<16384x16xf32, #tpu.memory_space<hbm>> -> memref<512x16xf32, #tpu.memory_space<hbm>>
      %dma_start3A_15 = arith.constant 0 : i32
      %dma_start3A_16 = tpu.memref_slice %arg4[%mul3A_13, %dma_start3A_15] : memref<16384x16xf32, #tpu.memory_space<hbm>> -> memref<512x16xf32, #tpu.memory_space<hbm>>
      tpu.enqueue_dma source(%arg7 : memref<512x16xf32, #tpu.memory_space<vmem>>) target(%dma_start3A_16 : memref<512x16xf32, #tpu.memory_space<hbm>>) target_semaphore(%run_scoped3A : memref<!tpu.dma_semaphore, #tpu.memory_space<semaphore_mem>>)
      %dma_wait3A = arith.constant 0 : i32
      %dma_wait3A_17 = tpu.memref_slice %arg4[%mul3A_13, %dma_wait3A] : memref<16384x16xf32, #tpu.memory_space<hbm>> -> memref<512x16xf32, #tpu.memory_space<hbm>>
      %dma_wait3A_18 = arith.constant 0 : i32
      %dma_wait3A_19 = tpu.memref_slice %arg4[%mul3A_13, %dma_wait3A_18] : memref<16384x16xf32, #tpu.memory_space<hbm>> -> memref<512x16xf32, #tpu.memory_space<hbm>>
      tpu.wait_dma2 semaphore(%run_scoped3A : memref<!tpu.dma_semaphore, #tpu.memory_space<semaphore_mem>>) src(%arg7 : memref<512x16xf32, #tpu.memory_space<vmem>>) dst(%dma_wait3A_19 : memref<512x16xf32, #tpu.memory_space<hbm>>)
      tpu.yield
    }) : () -> ()
    return
  }
}

module attributes {stable_mosaic.version = 14 : i64} {
  func.func @_head(%arg0: memref<2048x128xf32, #tpu.memory_space<vmem>>, %arg1: memref<2048x8xf32, #tpu.memory_space<vmem>>, %arg2: memref<2048x8xf32, #tpu.memory_space<vmem>>, %arg3: memref<1x1xf32, #tpu.memory_space<smem>>) attributes {dimension_semantics = [], scalar_prefetch = 0 : i64, scratch_operands = 0 : i64, tpu.core_type = #tpu.core_type<tc>} {
    %get3A = arith.constant 0 : index
    %get3A_0 = arith.constant 0 : index
    %get3A_1 = vector.load %arg0[%get3A, %get3A_0] : memref<2048x128xf32, #tpu.memory_space<vmem>>, vector<2048x128xf32>
    %iota3A = tpu.iota {dimensions = array<i32: 1>} : vector<1x128xi32>
    %iota3A_2 = vector.shape_cast %iota3A : vector<1x128xi32> to vector<128xi32>
    %broadcast_in_dim3A = vector.shape_cast %iota3A_2 : vector<128xi32> to vector<128x1xi32>
    %jit3A = arith.constant 16 : i32
    %div3A = vector.broadcast %jit3A : i32 to vector<128x1xi32>
    %div3A_3 = arith.divsi %broadcast_in_dim3A, %div3A : vector<128x1xi32>
    %sign3A = arith.constant 0 : i32
    %sign3A_4 = vector.broadcast %sign3A : i32 to vector<128x1xi32>
    %sign3A_5 = arith.cmpi sgt, %broadcast_in_dim3A, %sign3A_4 : vector<128x1xi32>
    %sign3A_6 = arith.extui %sign3A_5 : vector<128x1xi1> to vector<128x1xi32>
    %sign3A_7 = arith.constant 0 : i32
    %sign3A_8 = vector.broadcast %sign3A_7 : i32 to vector<128x1xi32>
    %sign3A_9 = arith.cmpi slt, %broadcast_in_dim3A, %sign3A_8 : vector<128x1xi32>
    %sign3A_10 = arith.extui %sign3A_9 : vector<128x1xi1> to vector<128x1xi32>
    %sign3A_11 = arith.subi %sign3A_6, %sign3A_10 : vector<128x1xi32>
    %sign3A_12 = arith.constant 0 : i32
    %sign3A_13 = arith.cmpi sgt, %jit3A, %sign3A_12 : i32
    %sign3A_14 = arith.extui %sign3A_13 : i1 to i32
    %sign3A_15 = arith.constant 0 : i32
    %sign3A_16 = arith.cmpi slt, %jit3A, %sign3A_15 : i32
    %sign3A_17 = arith.extui %sign3A_16 : i1 to i32
    %sign3A_18 = arith.subi %sign3A_14, %sign3A_17 : i32
    %ne3A = vector.broadcast %sign3A_18 : i32 to vector<128x1xi32>
    %ne3A_19 = arith.cmpi ne, %sign3A_11, %ne3A : vector<128x1xi32>
    %rem3A = vector.broadcast %jit3A : i32 to vector<128x1xi32>
    %rem3A_20 = arith.remsi %broadcast_in_dim3A, %rem3A : vector<128x1xi32>
    %ne3A_21 = arith.constant 0 : i32
    %ne3A_22 = vector.broadcast %ne3A_21 : i32 to vector<128x1xi32>
    %ne3A_23 = arith.cmpi ne, %rem3A_20, %ne3A_22 : vector<128x1xi32>
    %and3A = arith.andi %ne3A_19, %ne3A_23 : vector<128x1xi1>
    %sub3A = arith.constant 1 : i32
    %sub3A_24 = vector.broadcast %sub3A : i32 to vector<128x1xi32>
    %sub3A_25 = arith.subi %div3A_3, %sub3A_24 : vector<128x1xi32>
    %select_n3A = arith.select %and3A, %sub3A_25, %div3A_3 : vector<128x1xi1>, vector<128x1xi32>
    %iota3A_26 = tpu.iota {dimensions = array<i32: 1>} : vector<1x8xi32>
    %iota3A_27 = vector.shape_cast %iota3A_26 : vector<1x8xi32> to vector<8xi32>
    %broadcast_in_dim3A_28 = vector.shape_cast %iota3A_27 : vector<8xi32> to vector<1x8xi32>
    %eq3A = vector.broadcast %select_n3A : vector<128x1xi32> to vector<128x8xi32>
    %eq3A_29 = vector.broadcast %broadcast_in_dim3A_28 : vector<1x8xi32> to vector<128x8xi32>
    %eq3A_30 = arith.cmpi eq, %eq3A, %eq3A_29 : vector<128x8xi32>
    %convert_element_type3A = arith.extui %eq3A_30 : vector<128x8xi1> to vector<128x8xi32>
    %convert_element_type3A_31 = arith.sitofp %convert_element_type3A : vector<128x8xi32> to vector<128x8xf32>
    %dot_general3A = arith.constant dense<0.000000e+00> : vector<2048x8xf32>
    %dot_general3A_32 = tpu.matmul %get3A_1, %convert_element_type3A_31, %dot_general3A {dimension_numbers = #tpu.dot_dimension_numbers<[1], [0], [0], [1], [0, 0, 1, 1], [], []>, transpose_lhs_hint = false} : vector<2048x128xf32>, vector<128x8xf32>, vector<2048x8xf32> -> vector<2048x8xf32>
    %neg3A = arith.constant 0.000000e+00 : f32
    %neg3A_33 = vector.broadcast %neg3A : f32 to vector<2048x8xf32>
    %neg3A_34 = arith.subf %neg3A_33, %dot_general3A_32 : vector<2048x8xf32>
    %exp3A = math.exp %neg3A_34 : vector<2048x8xf32>
    %add3A = arith.constant 1.000000e+00 : f32
    %add3A_35 = vector.broadcast %add3A : f32 to vector<2048x8xf32>
    %add3A_36 = arith.addf %add3A_35, %exp3A : vector<2048x8xf32>
    %div3A_37 = arith.constant 1.000000e+00 : f32
    %div3A_38 = vector.broadcast %div3A_37 : f32 to vector<2048x8xf32>
    %div3A_39 = arith.divf %div3A_38, %add3A_36 : vector<2048x8xf32>
    %swap3A = arith.constant 0 : index
    %swap3A_40 = arith.constant 0 : index
    %swap3A_41 = vector.load %arg2[%swap3A, %swap3A_40] : memref<2048x8xf32, #tpu.memory_space<vmem>>, vector<2048x8xf32>
    tpu.vector_store %arg2[%swap3A, %swap3A_40], %div3A_39 {strides = array<i32>} : memref<2048x8xf32, #tpu.memory_space<vmem>>, vector<2048x8xf32>,
    %jit3A_42 = arith.constant 1.000000e-07 : f32
    %jit3A_43 = arith.constant 0.99999988 : f32
    %max3A = vector.broadcast %jit3A_42 : f32 to vector<2048x8xf32>
    %max3A_44 = arith.maximumf %max3A, %div3A_39 : vector<2048x8xf32>
    %min3A = vector.broadcast %jit3A_43 : f32 to vector<2048x8xf32>
    %min3A_45 = arith.minimumf %min3A, %max3A_44 : vector<2048x8xf32>
    %get3A_46 = arith.constant 0 : index
    %get3A_47 = arith.constant 0 : index
    %get3A_48 = vector.load %arg1[%get3A_46, %get3A_47] : memref<2048x8xf32, #tpu.memory_space<vmem>>, vector<2048x8xf32>
    %log3A = math.log %min3A_45 : vector<2048x8xf32>
    %mul3A = arith.mulf %get3A_48, %log3A : vector<2048x8xf32>
    %sub3A_49 = arith.constant 1.000000e+00 : f32
    %sub3A_50 = vector.broadcast %sub3A_49 : f32 to vector<2048x8xf32>
    %sub3A_51 = arith.subf %sub3A_50, %get3A_48 : vector<2048x8xf32>
    %sub3A_52 = arith.constant 1.000000e+00 : f32
    %sub3A_53 = vector.broadcast %sub3A_52 : f32 to vector<2048x8xf32>
    %sub3A_54 = arith.subf %sub3A_53, %min3A_45 : vector<2048x8xf32>
    %log3A_55 = math.log %sub3A_54 : vector<2048x8xf32>
    %mul3A_56 = arith.mulf %sub3A_51, %log3A_55 : vector<2048x8xf32>
    %add3A_57 = arith.addf %mul3A, %mul3A_56 : vector<2048x8xf32>
    %reduce_sum3A = vector.shape_cast %add3A_57 : vector<2048x8xf32> to vector<1x2048x8xf32>
    %reduce_sum3A_58 = arith.constant dense<0.000000e+00> : vector<1xf32>
    %reduce_sum3A_59 = vector.multi_reduction <add>, %reduce_sum3A, %reduce_sum3A_58 [1, 2] : vector<1x2048x8xf32> to vector<1xf32>
    %reduce_sum3A_60 = vector.shape_cast %reduce_sum3A_59 : vector<1xf32> to vector<1x1x1xf32>
    %reduce_sum3A_61 = vector.extract %reduce_sum3A_60[0, 0, 0] : f32 from vector<1x1x1xf32>
    %neg3A_62 = arith.constant 0.000000e+00 : f32
    %neg3A_63 = arith.subf %neg3A_62, %reduce_sum3A_61 : f32
    %div3A_64 = arith.constant 1.638400e+04 : f32
    %div3A_65 = arith.divf %neg3A_63, %div3A_64 : f32
    %swap3A_66 = arith.constant 0 : index
    %swap3A_67 = arith.constant 0 : index
    %swap3A_68 = memref.load %arg3[%swap3A_66, %swap3A_67] : memref<1x1xf32, #tpu.memory_space<smem>>
    memref.store %div3A_65, %arg3[%swap3A_66, %swap3A_67] : memref<1x1xf32, #tpu.memory_space<smem>>
    return
  }
}

</mosaic_0001>

<sc_bundles>
// kernel: kernel.5.cloned.1.call-start
scs
__scs_entry_jumppad:
0x0: {  	(pc) =	sbr.rel $0x88, $3  }
0x1: {  	(tag) =	ssettag $0x0;
	lr =	simm.s32 $0x1  }
0x2: {  	[smem:$0x3F9E] =	sst lr;
	_ =	strace $0xD0000000  }
0x3: {  	_ = 	snop  }
0x4: {  	_ = 	snop  }
0x5: {  	_ = 	snop  }
0x6: {  	_ = 	snop  }
0x7: {  	_ = 	snop  }
__scs_overlays_trampoline_lowered:
0x8: {  	[smem:$0x3FAD] =	sst s0  }
0x9: {  	[smem:$0x3FAE] =	sst s1  }
0xa: {  	[smem:$0x3FAF] =	sst s2  }
0xb: {  	[smem:$0x3FB0] =	sst s3  }
0xc: {  	[smem:$0x3FB1] =	sst s4  }
0xd: {  	[smem:$0x3FB2] =	sst s5  }
0xe: {  	[smem:$0x3FB3] =	sst s6  }
0xf: {  	[smem:$0x3FB4] =	sst s7  }
0x10: {  	[smem:$0x3FB5] =	sst s8  }
0x11: {  	[smem:$0x3FB6] =	sst s9;
	s0 =	simm.s32 @!p0 $0x0  }
0x12: {  	s1 =	sld [smem:$0x3F9C];
	s0 =	simm.s32 @p0 $0x1  }
0x13: {  	[smem:$0x3FB7] =	sst s0;
	s0 =	simm.s32 @!p1 $0x0  }
0x14: {  	s2 =	sld [smem:$0x3F9B];
	s0 =	simm.s32 @p1 $0x1  }
0x15: {  	[smem:$0x3FB8] =	sst s0;
	s0 =	simm.s32 @!p2 $0x0  }
0x16: {  	s3 =	sld [smem:$0x3FDB];
	s0 =	simm.s32 @p2 $0x1  }
0x17: {  	s4 =	simm.s32 $0x1BF5;
	[smem:$0x3FBA] =	sst s0  }
0x18: {  	s0 =	sld [smem:$0x3F9D];
	_ =	swait.ge [sflag:s4], $0x0  }
0x19: {  	s7 =	sld [smem:$0x3F9E]  }
0x1a: {  	s8 =	sadd.s32 $0xFFFFE003, lr  }
0x1b: {  	s9 =	sadd.s32 $0xFFFFFEF7, lr;
	s5 =	simm.s32 $0xFFFFFFFF;
	p2 =	slt.u32 s8, $0xFFFFF086  }
0x1c: {  	p1 =	slt.u32 s9, $0xF7A;
	s5 =	simm.s32 @!p2 $0x0  }
0x1d: {  	s5 =	simm.s32 @p1 $0x1;
	p0 =	seq.s32 s7, s2  }
0x1e: {  	s7 =	smul.u32 @!p0 $0xF7A, s2;
	p2 =	seq.s32 @!p0 s5, $0x0  }
0x1f: {  	s9 =	smul.u32 $0xF7A, s1;
	s8 =	simm.s32 @!p0 $0x1BF5;
	p2 =	por !p2, p0  }
0x20: {  	[sflag:s8] =	ssyncset.s32 @!p0 $0xFFFFF086;
	s6 =	sadd.s32 @!p0 s3, s7;
	s7 =	simm.s32 @!p0 $0x108  }
0x21: {  	s3 =	sadd.s32 s3, s9;
	s6 =	sadd.s32 @!p0 $0x88, s6;
	s7 =	simm.s32 @p2 $0x1082  }
0x22: {  	[simem:s7], [sflag:s8] =	dma.local @!p0 [hbm:s6], $0xF7A  }
0x23: {  	s9 =	sor.u32 $0xD0000000, s2;
	s6 =	simm.s32 $0x108;
	_ =	swait.ge @!p0 [sflag:s8], $0x0  }
0x24: {  	s3 =	sadd.s32 $0x88, s3;
	s6 =	simm.s32 @!p1 $0x1082;
	[sflag:s4] =	ssyncset.s32 $0xFFFFF086  }
0x25: {  	[simem:s6], [sflag:s4] =	dma.local [hbm:s3], $0xF7A  }
0x26: {  	[smem:$0x3F9E] =	sst s1;
	(tag) =	ssettag s2;
	_ =	strace s9  }
0x27: {  	s1 =	sld [smem:$0x3FAE]  }
0x28: {  	s2 =	sld [smem:$0x3FAF]  }
0x29: {  	s4 =	sld [smem:$0x3FB1]  }
0x2a: {  	p0 =	seq.s32 s5, $0x0;
	s5 =	sld [smem:$0x3FB2]  }
0x2b: {  	s6 =	sld [smem:$0x3FB3]  }
0x2c: {  	s7 =	sld [smem:$0x3FB4]  }
0x2d: {  	s3 =	simm.s32 $0x108;
	s8 =	sld [smem:$0x3FB5]  }
0x2e: {  	s3 =	simm.s32 @!p0 $0x1082;
	s9 =	sld [smem:$0x3FB6]  }
0x2f: {  	lr =	sadd.s32 s0, s3;
	s0 =	sld [smem:$0x3FAD]  }
0x30: {  	s3 =	sld [smem:$0x3FB0]  }
0x31: {  	[smem:$0x3FB9] =	sst s10  }
0x32: {  	s10 =	sld [smem:$0x3FB7];
	_ =	sdelay $0x3  }
0x33: {  	p0 =	seq.s32 s10, $0x1;
	s10 =	sld [smem:$0x3FB9];
	_ =	sdelay $0x3  }
0x34: {  	[smem:$0x3FB9] =	sst s10  }
0x35: {  	s10 =	sld [smem:$0x3FB8];
	_ =	sdelay $0x3  }
0x36: {  	p1 =	seq.s32 s10, $0x1;
	s10 =	sld [smem:$0x3FB9];
	_ =	sdelay $0x3  }
0x37: {  	[smem:$0x3FB9] =	sst s10  }
0x38: {  	s10 =	sld [smem:$0x3FBA]  }
0x39: {  	_ = 	snop;
	(pc) =	sbr.ind lr, $3  }
0x3a: {  	_ = 	snop  }
0x3b: {  	_ = 	snop  }
0x3c: {  	p2 =	seq.s32 s10, $0x1;
	s10 =	sld [smem:$0x3FB9]  }
0x3d: {  	_ =	shalt  }
0x3e: {  	_ =	shalt  }
0x3f: {  	_ =	shalt  }
0x40: {  	_ =	shalt  }
0x41: {  	_ =	shalt  }
0x42: {  	_ =	shalt  }
0x43: {  	_ =	shalt  }
0x44: {  	_ =	shalt  }
0x45: {  	_ =	shalt  }
0x46: {  	_ =	shalt  }
0x47: {  	_ =	shalt  }
0x48: {  	_ =	shalt  }
0x49: {  	_ =	shalt  }
0x4a: {  	_ =	shalt  }
0x4b: {  	_ =	shalt  }
0x4c: {  	_ =	shalt  }
0x4d: {  	_ =	shalt  }
0x4e: {  	_ =	shalt  }
0x4f: {  	_ =	shalt  }
0x50: {  	_ =	shalt  }
0x51: {  	_ =	shalt  }
0x52: {  	_ =	shalt  }
0x53: {  	_ =	shalt  }
0x54: {  	_ =	shalt  }
0x55: {  	_ =	shalt  }
0x56: {  	_ =	shalt  }
0x57: {  	_ =	shalt  }
0x58: {  	_ =	shalt  }
0x59: {  	_ =	shalt  }
0x5a: {  	_ =	shalt  }
0x5b: {  	_ =	shalt  }
0x5c: {  	_ =	shalt  }
0x5d: {  	_ =	shalt  }
0x5e: {  	_ =	shalt  }
0x5f: {  	_ =	shalt  }
0x60: {  	_ =	shalt  }
0x61: {  	_ =	shalt  }
0x62: {  	_ =	shalt  }
0x63: {  	_ =	shalt  }
0x64: {  	_ =	shalt  }
0x65: {  	_ =	shalt  }
0x66: {  	_ =	shalt  }
0x67: {  	_ =	shalt  }
0x68: {  	_ =	shalt  }
0x69: {  	_ =	shalt  }
0x6a: {  	_ =	shalt  }
0x6b: {  	_ =	shalt  }
0x6c: {  	_ =	shalt  }
0x6d: {  	_ =	shalt  }
0x6e: {  	_ =	shalt  }
0x6f: {  	_ =	shalt  }
0x70: {  	_ =	shalt  }
0x71: {  	_ =	shalt  }
0x72: {  	_ =	shalt  }
0x73: {  	_ =	shalt  }
0x74: {  	_ =	shalt  }
0x75: {  	_ =	shalt  }
0x76: {  	_ =	shalt  }
0x77: {  	_ =	shalt  }
0x78: {  	_ =	shalt  }
0x79: {  	_ =	shalt  }
0x7a: {  	_ =	shalt  }
0x7b: {  	_ =	shalt  }
0x7c: {  	_ =	shalt  }
0x7d: {  	_ =	shalt  }
0x7e: {  	_ =	shalt  }
0x7f: {  	_ =	shalt  }
0x80: {  	_ =	shalt  }
0x81: {  	_ =	shalt  }
0x82: {  	_ =	shalt  }
0x83: {  	_ =	shalt  }
0x84: {  	_ =	shalt  }
0x85: {  	_ =	shalt  }
0x86: {  	_ =	shalt  }
0x87: {  	_ =	shalt  }
.Lfunc_end0:
.L_simem_size_0:
called_computation_lowered:
.L_overlay_start_0:
0x88: {  	s2 =	sld [smem:$0x3FD9]  }
0x89: {  	s3 =	sld [smem:$0x3FFE];
	_ =	sdelay $0x1  }
0x8a: {  	s1 =	srdreg.scid  }
0x8b: {  	s0 =	sand.u32 $0x1, s1  }
0x8c: {  	s14 =	sshll.u32 s0, $0xA;
	s2 =	sadd.s32 s3, s2  }
0x8d: {  	s2 =	sadd.s32 s2, s14  }
0x8e: {  	[smem:$0x3FC5] =	sst s2  }
0x8f: {  	_ = 	snop  }
0x90: {  	s2 =	sld [smem:$0x3FD0];
	_ =	sdelay $0x2  }
0x91: {  	s4 =	simm.s32 $0xA;
	s5 =	simm.s32 $0x10;
	s15 =	sld [smem:$0x3FC7]  }
0x92: {  	[smem:s5], [sflag:s4] =	dma.local [hbm:s2], $0x1  }
0x93: {  	_ =	swait.eq [sflag:s4], $0x1  }
0x94: {  	[sflag:s4] =	ssyncset.done $0x0  }
0x95: {  	[sflag:s4] =	ssyncadd.s32 $0xFFFFFFFF  }
0x96: {  	s16 =	sld [smem:$0x10];
	(tm) =	ssettm $0x1  }
0x97: {  	s17 =	sld [smem:$0x3FFB];
	_ =	sdelay $0x3  }
0x98: {  	_ =	strace s17  }
0x99: {  	s4 =	sld [smem:$0x3FFC];
	_ =	sdelay $0x3  }
0x9a: {  	_ =	strace s4  }
0x9b: {  	s4 =	sld [smem:$0x3FFD];
	_ =	sdelay $0x3  }
0x9c: {  	_ =	strace s4  }
0x9d: {  	_ =	strace $0x8FFFFFFF  }
0x9e: {  	s18 =	sld [smem:$0x3FDB];
	_ =	sdelay $0x1  }
0x9f: {  	s19 =	simm.s32 $_scs_section_size  }
0xa0: {  	s6 =	simm.s32 $_size__tile_overlayer_lowered;
	s7 =	simm.s32 $_tile_overlayer_lowered  }
0xa1: {  	s22 =	simm.s32 $0x1BFF;
	s21 =	sshll.u32 s7, $0x1;
	s4 =	sadd.s32 s19, s18  }
0xa2: {  	s8 =	simm.s32 $0x0;
	s20 =	sshll.u32 s6, $0x1;
	s6 =	sadd.s32 s21, s4  }
0xa3: {  	[timem:s8], [sflag:s22] =	dma.local [hbm:s6], s20  }
0xa4: {  	_ =	swait.ge [sflag:s22], s20  }
0xa5: {  	s5 =	ssub.s32 $0x0, s20;
	[sflag:s22] =	ssyncset.done $0x0  }
0xa6: {  	[sflag:s22] =	ssyncadd.s32 s5;
	_ =	sdelay $0x1  }
0xa7: {  	s23 =	simm.s32 $0x1B8B  }
0xa8: {  	_ =	swait.ge [sflag:s23], $0x1  }
0xa9: {  	[sflag:s23] =	ssyncset.done $0x0  }
0xaa: {  	s25 =	simm.s32 $0x1B8E;
	s24 =	sld [smem:$0x3FFE];
	[sflag:s23] =	ssyncadd.s32 $0xFFFFFFFF  }
0xab: {  	s26 =	simm.s32 $execute0_lowered;
	[smem:$0x3FD2] =	sst s25  }
0xac: {  	s6 =	sshll.u32 s26, $0x1;
	_ =	strace $0x80000046;
	[dreg:$0x1] =	wrdreg $0xFFFFFFFF  }
0xad: {  	s28 =	simm.s32 $_size_execute0_lowered;
	s4 =	sadd.s32 s4, s6;
	[dreg:$0x0] =	wrdreg $0x0  }
0xae: {  	s6 =	sshll.u32 s28, $0x1;
	[dreg:$0x2] =	wrdreg s4  }
0xaf: {  	[dreg:$0x3] =	wrdreg s6  }
0xb0: {  	[dreg:$0x4] =	wrdreg $0xC0  }
0xb1: {  	_ =	task [dreg:s8], $0x5FFFF  }
0xb2: {  	[dreg:$0x1] =	wrdreg $0xFFFFFFFF  }
0xb3: {  	[dreg:$0x0] =	wrdreg $0x60  }
0xb4: {  	[dreg:$0x2] =	wrdreg s15  }
0xb5: {  	[dreg:$0x3] =	wrdreg s16  }
0xb6: {  	[dreg:$0x4] =	wrdreg s24  }
0xb7: {  	[dreg:$0x5] =	wrdreg $0x9  }
0xb8: {  	_ =	task.clear_ibuf [dreg:s8], $0x6FFFF;
	_ =	strace $0x90000046  }
0xb9: {  	s29 =	simm.s32 $0x9;
	_ =	strace $0x80000048  }
0xba: {  	_ =	swait.ge [sflag:s29], $0x1  }
0xbb: {  	[sflag:s29] =	ssyncadd.s32 $0xFFFFFFFF  }
0xbc: {  	_ =	strace $0x90000048  }
0xbd: {  	_ =	sfence  }
0xbe: {  	s30 =	sld [smem:$0x0];
	_ =	sdelay $0x2  }
0xbf: {  	s31 =	sshll.u32 s1, $0xD;
	s1 =	sshrl.u32 s1, $0x2  }
0xc0: {  	s3 =	sand.u32 $0x4000, s31;
	s1 =	sadd.s32 s1, s30  }
0xc1: {  	s0 =	sor.u32 s3, s0;
	s1 =	sshll.u32 s1, $0x11  }
0xc2: {  	s0 =	sor.u32 s1, s0  }
0xc3: {  	s0 =	sadd.s32 $0x8F2B, s0  }
0xc4: {  	[sflag:s0] =	ssyncadd.remote.s32 $0x1  }
0xc5: {  	_ =	sfence.sel $0xFFFF  }
0xc6: {  	[dreg:$0x0] =	wrdreg $0xFFFFFFFF;
	(pc) =	sbr.abs _section_cstart, $3  }
0xc7: {  	[dreg:$0x1] =	wrdreg $0xFFFFFFFF  }
0xc8: {  	_ =	task.clear_ibuf [dreg:s8], $0x2FFFF;
	_ =	strace $0x9FFFFFFF  }
0xc9: {  	(tm) =	ssettm $0x7FFFFFFF  }
tec
execute0_lowered:
.L_overlay_start_1:
0x0: {  	(tag) =	ssettag $0x1  }
0x1: {  	s1 =	rddreg [dreg:$0x0]  }
0x2: {  	s11 =	rddreg [dreg:$0x1]  }
0x3: {  	s0 =	rddreg [dreg:$0x2]  }
0x4: {  	s2 =	srdreg.scid;
	s3 =	stileid.u32  }
0x5: {  	s4 =	simm.s32 $0x0;
	s19 =	simm.s32 $0x1;
	s20 =	simm.s32 $0x9000  }
0x6: {  	s21 =	simm.s32 $0x2;
	s22 =	simm.s32 $0xD000;
	s23 =	simm.s32 $0x3  }
0x7: {  	s24 =	simm.s32 $0x4;
	s25 =	simm.s32 $0x5;
	s28 =	simm.s32 $0x9200  }
0x8: {  	s29 =	simm.s32 $0x9300;
	s30 =	simm.s32 $0x0;
	s2 =	sand.u32 $0x1, s2  }
0x9: {  	v0 =	vlaneseq.u32;
	s3 =	sshll.u32 s3, $0x1;
	[smem:$0x7FF] =	sst s4;
	s6 =	sadd.s32 $0x1000, s0  }
0xa: {  	s0 =	sadd.s32 $0x4F6800, s0;
	v0 =	vmul.u32 $0x10, v0;
	s31 =	sadd.s32 $0x80, s11;
	s7 =	ssub.s32 $0x2, s2  }
0xb: {  	s5 =	sor.u32 s2, s3;
	_ =	strace $0x80000047;
	[dreg:$0x4] =	wrdreg s0  }
.Ltmp0:
0xc: {  	[dreg:$0x5] =	wrdreg s31;
	s26 =	sshrl.u32 s7, $0x1;
	v1 =	vor.u32 $0x1, v0;
	v2 =	vor.u32 $0x2, v0;
	v15 =	vor.u32 $0xF, v0;
	(pc) =	sbr.rel .LBB2_1-.Ltmp0, $4  }
0xd: {  	s3 =	sshll.u32 s5, $0xA;
	s9 =	sor.u32 $0x40, s5;
	s10 =	sor.u32 $0x60, s5;
	v3 =	vor.u32 $0x3, v0;
	v4 =	vor.u32 $0x4, v0;
	v5 =	vor.u32 $0x5, v0  }
0xe: {  	v6 =	vor.u32 $0x6, v0;
	v7 =	vor.u32 $0x7, v0;
	v9 =	vor.u32 $0x9, v0;
	p0 =	sgt.u32 s5, $0xA;
	s2 =	ssub.s32 s7, s26;
	s7 =	sadd.s32 s1, s3  }
0xf: {  	v10 =	vor.u32 $0xA, v0;
	v11 =	vor.u32 $0xB, v0;
	v12 =	vor.u32 $0xC, v0;
	p1 =	sne.s32 s5, $0x1F;
	s26 =	simm.s32 $0x9100;
	s8 =	sadd.s32 $0x8000, s7  }
0x10: {  	v8 =	vor.u32 $0x8, v0;
	v13 =	vor.u32 $0xD, v0;
	v14 =	vor.u32 $0xE, v0;
	s12 =	smax.u32 s2, $0x1;
	s13 =	sadd.s32 $0x27AC80, s7;
	s14 =	sadd.s32 $0x282C80, s7  }
.LBB2_10:
0x11: {  	_ =	swait.ge [sflag:s24], $0x4000  }
0x12: {  	[sflag:s24] =	ssyncset.done $0x0  }
0x13: {  	[sflag:s24] =	ssyncadd.s32 $0xFFFFC000  }
.LBB2_13:
0x14: {  	s30 =	sadd.s32 $0x1, s30  }
0x15: {  	p2 =	sne.s32 s30, s12  }
.Ltmp1:
0x16: {  	_ = 	snop;
	(pc) =	sbr.rel @!p2 .LBB2_14-.Ltmp1, $1  }
0x17: {  	_ =	sdelay $0x3  }
.LBB2_1:
0x18: {  	[tilespmem:s4], [sflag:$0x1] =	stream.linear.gather [hbm4b:s7+s4], $0x2000, $0x38;
	[tilespmem:$0x11000] =	vst v63  }
0x19: {  	s0 =	simm.s32 $0x2400  }
0x1a: {  	[tilespmem:s0], [sflag:$0x1] =	stream.linear.gather [hbm4b:s13+s4], $0x2000, $0x38;
	[tilespmem:$0x11000] =	vst v63  }
.Ltmp2:
0x1b: {  	_ = 	snop;
	(pc) =	sbr.rel .LBB2_2-.Ltmp2, $4  }
0x1c: {  	s17 =	simm.s32 $0x4800  }
0x1d: {  	[tilespmem:s17], [sflag:$0x2] =	stream.linear.gather [hbm4b:s8+s4], $0x2000, $0x38;
	[tilespmem:$0x11000] =	vst v63  }
0x1e: {  	s18 =	simm.s32 $0x6C00;
	s31 =	simm.s32 $0x0  }
0x1f: {  	[tilespmem:s18], [sflag:$0x2] =	stream.linear.gather [hbm4b:s14+s4], $0x2000, $0x38;
	[tilespmem:$0x11000] =	vst v63  }
.LBB2_8:
0x20: {  	s0 =	sadd.s32 s10, s0  }
0x21: {  	p2 =	sgt.u32 s0, $0x9EA  }
0x22: {  	s0 =	sshll.u32 @!p2 s0, $0xA  }
0x23: {  	s2 =	simm.s32 @!p2 $0x0;
	s3 =	simm.s32 @!p2 $0x4800;
	s0 =	sadd.s32 @!p2 s1, s0  }
0x24: {  	[tilespmem:s3], [sflag:$0x2] =	stream.linear.gather @!p2 [hbm4b:s0+s2], $0x2000, $0x38;
	[tilespmem:$0x11000] =	vst v63  }
0x25: {  	s31 =	sadd.s32 $0x1, s31;
	s0 =	sadd.s32 @!p2 $0x27AC80, s0;
	s3 =	simm.s32 @!p2 $0x6C00  }
0x26: {  	[tilespmem:s3], [sflag:$0x2] =	stream.linear.gather @!p2 [hbm4b:s0+s2], $0x2000, $0x38;
	[tilespmem:$0x11000] =	vst v63  }
0x27: {  	p2 =	sne.s32 s31, $0x28  }
.Ltmp3:
0x28: {  	_ = 	snop;
	(pc) =	sbr.rel @!p2 .LBB2_9-.Ltmp3, $1  }
0x29: {  	_ =	sdelay $0x3  }
.LBB2_2:
0x2a: {  	p2 =	seq.s32 s31, $0x0  }
0x2b: {  	s0 =	simm.s32 @!p2 $0x3  }
0x2c: {  	_ =	swait.ge @!p2 [sflag:s0], $0x4000  }
0x2d: {  	[sflag:s0] =	ssyncset.done @!p2 $0x0  }
0x2e: {  	[sflag:s0] =	ssyncadd.s32 @!p2 $0xFFFFC000  }
0x2f: {  	s18 =	simm.s32 $0x0;
	_ =	swait.ge [sflag:s19], $0x4000  }
0x30: {  	s2 =	sand.u32 $0x70, s18;
	s3 =	sand.u32 $0x1C00, s18;
	[sflag:s19] =	ssyncset.done $0x0  }
0x31: {  	s16 =	sor.u32 s2, s3;
	[sflag:s19] =	ssyncadd.s32 $0xFFFFC000  }
0x32: {  	v16 =	vld [tilespmem:s16+$0x0];
	_ =	sdelay $0x3  }
0x33: {  	s3 =	simm.s32 $0x9000  }
0x34: {  	[tilespmem:v0+s3+$0x0] =	vst.idx.msk $0xffff, v16  }
0x35: {  	v16 =	vld [tilespmem:s16+$0x80];
	_ =	sdelay $0x4  }
0x36: {  	[tilespmem:v1+s3+$0x0] =	vst.idx.msk $0xffff, v16  }
0x37: {  	v16 =	vld [tilespmem:s16+$0x100];
	_ =	sdelay $0x4  }
0x38: {  	[tilespmem:v2+s3+$0x0] =	vst.idx.msk $0xffff, v16  }
0x39: {  	v16 =	vld [tilespmem:s16+$0x180];
	_ =	sdelay $0x4  }
0x3a: {  	[tilespmem:v3+s3+$0x0] =	vst.idx.msk $0xffff, v16  }
0x3b: {  	v16 =	vld [tilespmem:s16+$0x200];
	_ =	sdelay $0x4  }
0x3c: {  	[tilespmem:v4+s3+$0x0] =	vst.idx.msk $0xffff, v16  }
0x3d: {  	v16 =	vld [tilespmem:s16+$0x280];
	_ =	sdelay $0x4  }
0x3e: {  	[tilespmem:v5+s3+$0x0] =	vst.idx.msk $0xffff, v16  }
0x3f: {  	v16 =	vld [tilespmem:s16+$0x300];
	_ =	sdelay $0x3  }
0x40: {  	s0 =	sor.u32 s18, s18  }
0x41: {  	s0 =	sor.u32 $0x380, s0;
	[tilespmem:v6+s3+$0x0] =	vst.idx.msk $0xffff, v16  }
0x42: {  	v16 =	vld [tilespmem:s0+$0x0];
	_ =	sdelay $0x4  }
0x43: {  	[tilespmem:v7+s3+$0x0] =	vst.idx.msk $0xffff, v16  }
0x44: {  	v16 =	vld [tilespmem:s16+$0x2400];
	_ =	sdelay $0x4  }
0x45: {  	[tilespmem:v8+s3+$0x0] =	vst.idx.msk $0xffff, v16  }
0x46: {  	v16 =	vld [tilespmem:s16+$0x2480];
	_ =	sdelay $0x4  }
0x47: {  	[tilespmem:v9+s3+$0x0] =	vst.idx.msk $0xffff, v16  }
0x48: {  	v16 =	vld [tilespmem:s16+$0x2500];
	_ =	sdelay $0x4  }
0x49: {  	[tilespmem:v10+s3+$0x0] =	vst.idx.msk $0xffff, v16  }
0x4a: {  	v16 =	vld [tilespmem:s16+$0x2580];
	_ =	sdelay $0x4  }
0x4b: {  	[tilespmem:v11+s3+$0x0] =	vst.idx.msk $0xffff, v16  }
0x4c: {  	v16 =	vld [tilespmem:s16+$0x2600];
	_ =	sdelay $0x4  }
0x4d: {  	[tilespmem:v12+s3+$0x0] =	vst.idx.msk $0xffff, v16  }
0x4e: {  	v16 =	vld [tilespmem:s16+$0x2680];
	_ =	sdelay $0x4  }
0x4f: {  	[tilespmem:v13+s3+$0x0] =	vst.idx.msk $0xffff, v16  }
0x50: {  	v16 =	vld [tilespmem:s16+$0x2700];
	_ =	sdelay $0x4  }
0x51: {  	[tilespmem:v14+s3+$0x0] =	vst.idx.msk $0xffff, v16  }
0x52: {  	v16 =	vld [tilespmem:s16+$0x2780];
	_ =	sdelay $0x1  }
0x53: {  	s11 =	simm.s32 $0x10  }
0x54: {  	s15 =	simm.s32 $0x80;
	s17 =	simm.s32 $0x20;
	s0 =	sshll.u32 s31, $0x6  }
0x55: {  	s18 =	sand.u32 $0x70, s11;
	s2 =	sor.u32 s5, s0;
	s16 =	sand.u32 $0x1C00, s15  }
.LBB2_3:
0x56: {  	p3 =	sne.s32 s17, $0x3F0;
	s18 =	sor.u32 s18, s16;
	[tilespmem:v15+s3+$0x0] =	vst.idx.msk $0xffff, v16  }
0x57: {  	v16 =	vld [tilespmem:s18+$0x0];
	_ =	sdelay $0x3  }
0x58: {  	s3 =	sadd.s32 $0x100, s3  }
0x59: {  	[tilespmem:v0+s3+$0x0] =	vst.idx.msk $0xffff, v16  }
0x5a: {  	v16 =	vld [tilespmem:s18+$0x80];
	_ =	sdelay $0x4  }
0x5b: {  	[tilespmem:v1+s3+$0x0] =	vst.idx.msk $0xffff, v16  }
0x5c: {  	v16 =	vld [tilespmem:s18+$0x100];
	_ =	sdelay $0x4  }
0x5d: {  	[tilespmem:v2+s3+$0x0] =	vst.idx.msk $0xffff, v16  }
0x5e: {  	v16 =	vld [tilespmem:s18+$0x180];
	_ =	sdelay $0x4  }
0x5f: {  	[tilespmem:v3+s3+$0x0] =	vst.idx.msk $0xffff, v16  }
0x60: {  	v16 =	vld [tilespmem:s18+$0x200];
	_ =	sdelay $0x4  }
0x61: {  	[tilespmem:v4+s3+$0x0] =	vst.idx.msk $0xffff, v16  }
0x62: {  	v16 =	vld [tilespmem:s18+$0x280];
	_ =	sdelay $0x4  }
0x63: {  	[tilespmem:v5+s3+$0x0] =	vst.idx.msk $0xffff, v16  }
0x64: {  	v16 =	vld [tilespmem:s18+$0x300];
	_ =	sdelay $0x3  }
0x65: {  	s16 =	sor.u32 s15, s11;
	s11 =	smov.u32 s17  }
0x66: {  	s16 =	sor.u32 $0x380, s16;
	[tilespmem:v6+s3+$0x0] =	vst.idx.msk $0xffff, v16  }
0x67: {  	v16 =	vld [tilespmem:s16+$0x0];
	_ =	sdelay $0x4  }
0x68: {  	[tilespmem:v7+s3+$0x0] =	vst.idx.msk $0xffff, v16  }
0x69: {  	v16 =	vld [tilespmem:s18+$0x2400];
	_ =	sdelay $0x4  }
0x6a: {  	[tilespmem:v8+s3+$0x0] =	vst.idx.msk $0xffff, v16  }
0x6b: {  	v16 =	vld [tilespmem:s18+$0x2480];
	_ =	sdelay $0x4  }
0x6c: {  	[tilespmem:v9+s3+$0x0] =	vst.idx.msk $0xffff, v16  }
0x6d: {  	v16 =	vld [tilespmem:s18+$0x2500];
	_ =	sdelay $0x4  }
0x6e: {  	[tilespmem:v10+s3+$0x0] =	vst.idx.msk $0xffff, v16  }
0x6f: {  	v16 =	vld [tilespmem:s18+$0x2580];
	_ =	sdelay $0x4  }
0x70: {  	[tilespmem:v11+s3+$0x0] =	vst.idx.msk $0xffff, v16  }
0x71: {  	v16 =	vld [tilespmem:s18+$0x2600];
	_ =	sdelay $0x4  }
0x72: {  	[tilespmem:v12+s3+$0x0] =	vst.idx.msk $0xffff, v16  }
0x73: {  	v16 =	vld [tilespmem:s18+$0x2680];
	_ =	sdelay $0x4  }
0x74: {  	[tilespmem:v13+s3+$0x0] =	vst.idx.msk $0xffff, v16  }
0x75: {  	v16 =	vld [tilespmem:s18+$0x2700];
	_ =	sdelay $0x4  }
0x76: {  	[tilespmem:v14+s3+$0x0] =	vst.idx.msk $0xffff, v16  }
.Ltmp4:
0x77: {  	v16 =	vld [tilespmem:s18+$0x2780];
	(pc) =	sbr.rel @p3 .LBB2_3-.Ltmp4, $3  }
0x78: {  	_ =	sdelay $0x1  }
0x79: {  	s15 =	sadd.s32 $0x80, s15  }
0x7a: {  	s17 =	sadd.s32 $0x10, s17;
	s16 =	sand.u32 $0x1C00, s15;
	s18 =	sand.u32 $0x70, s11  }
0x7b: {  	_ =	sdelay $0x3  }
0x7c: {  	s16 =	sor.u32 s18, s16;
	[tilespmem:v15+s3+$0x0] =	vst.idx.msk $0xffff, v16  }
0x7d: {  	v16 =	vld [tilespmem:s16+$0x0];
	_ =	sdelay $0x3  }
0x7e: {  	s18 =	sadd.s32 $0x100, s3  }
0x7f: {  	[tilespmem:v0+s18+$0x0] =	vst.idx.msk $0xffff, v16  }
0x80: {  	v16 =	vld [tilespmem:s16+$0x80];
	_ =	sdelay $0x4  }
0x81: {  	[tilespmem:v1+s18+$0x0] =	vst.idx.msk $0xffff, v16  }
0x82: {  	v16 =	vld [tilespmem:s16+$0x100];
	_ =	sdelay $0x4  }
0x83: {  	[tilespmem:v2+s18+$0x0] =	vst.idx.msk $0xffff, v16  }
0x84: {  	v16 =	vld [tilespmem:s16+$0x180];
	_ =	sdelay $0x4  }
0x85: {  	[tilespmem:v3+s18+$0x0] =	vst.idx.msk $0xffff, v16  }
0x86: {  	v16 =	vld [tilespmem:s16+$0x200];
	_ =	sdelay $0x4  }
0x87: {  	[tilespmem:v4+s18+$0x0] =	vst.idx.msk $0xffff, v16  }
0x88: {  	v16 =	vld [tilespmem:s16+$0x280];
	_ =	sdelay $0x4  }
0x89: {  	[tilespmem:v5+s18+$0x0] =	vst.idx.msk $0xffff, v16  }
0x8a: {  	v16 =	vld [tilespmem:s16+$0x300];
	_ =	sdelay $0x3  }
0x8b: {  	s11 =	sor.u32 s15, s11  }
0x8c: {  	s11 =	sor.u32 $0x380, s11;
	[tilespmem:v6+s18+$0x0] =	vst.idx.msk $0xffff, v16  }
0x8d: {  	v16 =	vld [tilespmem:s11+$0x0];
	_ =	sdelay $0x4  }
0x8e: {  	[tilespmem:v7+s18+$0x0] =	vst.idx.msk $0xffff, v16  }
0x8f: {  	v16 =	vld [tilespmem:s16+$0x2400];
	_ =	sdelay $0x4  }
0x90: {  	[tilespmem:v8+s18+$0x0] =	vst.idx.msk $0xffff, v16  }
0x91: {  	v16 =	vld [tilespmem:s16+$0x2480];
	_ =	sdelay $0x4  }
0x92: {  	[tilespmem:v9+s18+$0x0] =	vst.idx.msk $0xffff, v16  }
0x93: {  	v16 =	vld [tilespmem:s16+$0x2500];
	_ =	sdelay $0x4  }
0x94: {  	[tilespmem:v10+s18+$0x0] =	vst.idx.msk $0xffff, v16  }
0x95: {  	v16 =	vld [tilespmem:s16+$0x2580];
	_ =	sdelay $0x4  }
0x96: {  	[tilespmem:v11+s18+$0x0] =	vst.idx.msk $0xffff, v16  }
0x97: {  	v16 =	vld [tilespmem:s16+$0x2600];
	_ =	sdelay $0x4  }
0x98: {  	[tilespmem:v12+s18+$0x0] =	vst.idx.msk $0xffff, v16  }
0x99: {  	v16 =	vld [tilespmem:s16+$0x2680];
	_ =	sdelay $0x4  }
0x9a: {  	[tilespmem:v13+s18+$0x0] =	vst.idx.msk $0xffff, v16  }
0x9b: {  	v16 =	vld [tilespmem:s16+$0x2700];
	_ =	sdelay $0x4  }
0x9c: {  	[tilespmem:v14+s18+$0x0] =	vst.idx.msk $0xffff, v16  }
0x9d: {  	v16 =	vld [tilespmem:s16+$0x2780];
	_ =	sdelay $0x2  }
0x9e: {  	s3 =	sadd.s32 s9, s0  }
0x9f: {  	s17 =	sshll.u32 s2, $0xB;
	p3 =	sgt.u32 s3, $0x9EA  }
0xa0: {  	s3 =	sshll.u32 @!p3 s3, $0xA;
	[tilespmem:v15+s18+$0x0] =	vst.idx.msk $0xffff, v16;
	s18 =	sadd.s32 s6, s17  }
0xa1: {  	[hbm4b:s18+s4] =	stream.linear.scatter [tilespmem:s20], [sflag:$0x3], $0x4000, $0x38;
	[tilespmem:$0x11000] =	vst v63  }
0xa2: {  	s3 =	sadd.s32 @!p3 s1, s3;
	s11 =	simm.s32 @!p3 $0x0  }
0xa3: {  	[tilespmem:s11], [sflag:$0x1] =	stream.linear.gather @!p3 [hbm4b:s3+s11], $0x2000, $0x38;
	[tilespmem:$0x11000] =	vst v63  }
0xa4: {  	s2 =	sor.u32 $0x20, s2;
	s15 =	simm.s32 @!p3 $0x2400;
	s3 =	sadd.s32 @!p3 $0x27AC80, s3  }
0xa5: {  	[tilespmem:s15], [sflag:$0x1] =	stream.linear.gather @!p3 [hbm4b:s3+s11], $0x2000, $0x38;
	[tilespmem:$0x11000] =	vst v63  }
0xa6: {  	p3 =	sgt.u32 s2, $0x9EA  }
.Ltmp5:
0xa7: {  	_ = 	snop;
	(pc) =	sbr.rel @p3 .LBB2_8-.Ltmp5, $4  }
0xa8: {  	s3 =	simm.s32 @!p2 $0x4  }
0xa9: {  	_ =	swait.ge @!p2 [sflag:s3], $0x4000  }
0xaa: {  	[sflag:s3] =	ssyncset.done @!p2 $0x0  }
0xab: {  	[sflag:s3] =	ssyncadd.s32 @!p2 $0xFFFFC000  }
0xac: {  	_ =	swait.ge [sflag:s21], $0x4000;
	s11 =	simm.s32 $0x0  }
0xad: {  	[sflag:s21] =	ssyncset.done $0x0;
	s3 =	sand.u32 $0x70, s11;
	s15 =	sand.u32 $0x1C00, s11  }
0xae: {  	[sflag:s21] =	ssyncadd.s32 $0xFFFFC000;
	s16 =	sor.u32 s3, s15  }
0xaf: {  	v16 =	vld [tilespmem:s16+$0x4800];
	_ =	sdelay $0x3  }
0xb0: {  	s3 =	simm.s32 $0xD000  }
0xb1: {  	[tilespmem:v0+s3+$0x0] =	vst.idx.msk $0xffff, v16  }
0xb2: {  	v16 =	vld [tilespmem:s16+$0x4880];
	_ =	sdelay $0x4  }
0xb3: {  	[tilespmem:v1+s3+$0x0] =	vst.idx.msk $0xffff, v16  }
0xb4: {  	v16 =	vld [tilespmem:s16+$0x4900];
	_ =	sdelay $0x4  }
0xb5: {  	[tilespmem:v2+s3+$0x0] =	vst.idx.msk $0xffff, v16  }
0xb6: {  	v16 =	vld [tilespmem:s16+$0x4980];
	_ =	sdelay $0x4  }
0xb7: {  	[tilespmem:v3+s3+$0x0] =	vst.idx.msk $0xffff, v16  }
0xb8: {  	v16 =	vld [tilespmem:s16+$0x4A00];
	_ =	sdelay $0x4  }
0xb9: {  	[tilespmem:v4+s3+$0x0] =	vst.idx.msk $0xffff, v16  }
0xba: {  	v16 =	vld [tilespmem:s16+$0x4A80];
	_ =	sdelay $0x4  }
0xbb: {  	[tilespmem:v5+s3+$0x0] =	vst.idx.msk $0xffff, v16  }
0xbc: {  	v16 =	vld [tilespmem:s16+$0x4B00];
	_ =	sdelay $0x3  }
0xbd: {  	s11 =	sor.u32 s11, s11  }
0xbe: {  	s11 =	sor.u32 $0x380, s11;
	[tilespmem:v6+s3+$0x0] =	vst.idx.msk $0xffff, v16  }
0xbf: {  	v16 =	vld [tilespmem:s11+$0x4800];
	_ =	sdelay $0x4  }
0xc0: {  	[tilespmem:v7+s3+$0x0] =	vst.idx.msk $0xffff, v16  }
0xc1: {  	v16 =	vld [tilespmem:s16+$0x6C00];
	_ =	sdelay $0x4  }
0xc2: {  	[tilespmem:v8+s3+$0x0] =	vst.idx.msk $0xffff, v16  }
0xc3: {  	v16 =	vld [tilespmem:s16+$0x6C80];
	_ =	sdelay $0x4  }
0xc4: {  	[tilespmem:v9+s3+$0x0] =	vst.idx.msk $0xffff, v16  }
0xc5: {  	v16 =	vld [tilespmem:s16+$0x6D00];
	_ =	sdelay $0x4  }
0xc6: {  	[tilespmem:v10+s3+$0x0] =	vst.idx.msk $0xffff, v16  }
0xc7: {  	v16 =	vld [tilespmem:s16+$0x6D80];
	_ =	sdelay $0x4  }
0xc8: {  	[tilespmem:v11+s3+$0x0] =	vst.idx.msk $0xffff, v16  }
0xc9: {  	v16 =	vld [tilespmem:s16+$0x6E00];
	_ =	sdelay $0x4  }
0xca: {  	[tilespmem:v12+s3+$0x0] =	vst.idx.msk $0xffff, v16  }
0xcb: {  	v16 =	vld [tilespmem:s16+$0x6E80];
	_ =	sdelay $0x4  }
0xcc: {  	[tilespmem:v13+s3+$0x0] =	vst.idx.msk $0xffff, v16  }
0xcd: {  	v16 =	vld [tilespmem:s16+$0x6F00];
	_ =	sdelay $0x4  }
0xce: {  	[tilespmem:v14+s3+$0x0] =	vst.idx.msk $0xffff, v16  }
0xcf: {  	v16 =	vld [tilespmem:s16+$0x6F80];
	_ =	sdelay $0x2  }
0xd0: {  	s15 =	simm.s32 $0x80;
	s11 =	simm.s32 $0x10  }
0xd1: {  	s17 =	simm.s32 $0x20;
	s18 =	sand.u32 $0x70, s11;
	s16 =	sand.u32 $0x1C00, s15  }
.LBB2_6:
0xd2: {  	p2 =	sne.s32 s17, $0x3F0;
	s18 =	sor.u32 s18, s16;
	[tilespmem:v15+s3+$0x0] =	vst.idx.msk $0xffff, v16  }
0xd3: {  	v16 =	vld [tilespmem:s18+$0x4800];
	_ =	sdelay $0x3  }
0xd4: {  	s3 =	sadd.s32 $0x100, s3  }
0xd5: {  	[tilespmem:v0+s3+$0x0] =	vst.idx.msk $0xffff, v16  }
0xd6: {  	v16 =	vld [tilespmem:s18+$0x4880];
	_ =	sdelay $0x4  }
0xd7: {  	[tilespmem:v1+s3+$0x0] =	vst.idx.msk $0xffff, v16  }
0xd8: {  	v16 =	vld [tilespmem:s18+$0x4900];
	_ =	sdelay $0x4  }
0xd9: {  	[tilespmem:v2+s3+$0x0] =	vst.idx.msk $0xffff, v16  }
0xda: {  	v16 =	vld [tilespmem:s18+$0x4980];
	_ =	sdelay $0x4  }
0xdb: {  	[tilespmem:v3+s3+$0x0] =	vst.idx.msk $0xffff, v16  }
0xdc: {  	v16 =	vld [tilespmem:s18+$0x4A00];
	_ =	sdelay $0x4  }
0xdd: {  	[tilespmem:v4+s3+$0x0] =	vst.idx.msk $0xffff, v16  }
0xde: {  	v16 =	vld [tilespmem:s18+$0x4A80];
	_ =	sdelay $0x4  }
0xdf: {  	[tilespmem:v5+s3+$0x0] =	vst.idx.msk $0xffff, v16  }
0xe0: {  	v16 =	vld [tilespmem:s18+$0x4B00];
	_ =	sdelay $0x3  }
0xe1: {  	s16 =	sor.u32 s15, s11;
	s11 =	smov.u32 s17  }
0xe2: {  	s16 =	sor.u32 $0x380, s16;
	[tilespmem:v6+s3+$0x0] =	vst.idx.msk $0xffff, v16  }
0xe3: {  	v16 =	vld [tilespmem:s16+$0x4800];
	_ =	sdelay $0x4  }
0xe4: {  	[tilespmem:v7+s3+$0x0] =	vst.idx.msk $0xffff, v16  }
0xe5: {  	v16 =	vld [tilespmem:s18+$0x6C00];
	_ =	sdelay $0x4  }
0xe6: {  	[tilespmem:v8+s3+$0x0] =	vst.idx.msk $0xffff, v16  }
0xe7: {  	v16 =	vld [tilespmem:s18+$0x6C80];
	_ =	sdelay $0x4  }
0xe8: {  	[tilespmem:v9+s3+$0x0] =	vst.idx.msk $0xffff, v16  }
0xe9: {  	v16 =	vld [tilespmem:s18+$0x6D00];
	_ =	sdelay $0x4  }
0xea: {  	[tilespmem:v10+s3+$0x0] =	vst.idx.msk $0xffff, v16  }
0xeb: {  	v16 =	vld [tilespmem:s18+$0x6D80];
	_ =	sdelay $0x4  }
0xec: {  	[tilespmem:v11+s3+$0x0] =	vst.idx.msk $0xffff, v16  }
0xed: {  	v16 =	vld [tilespmem:s18+$0x6E00];
	_ =	sdelay $0x4  }
0xee: {  	[tilespmem:v12+s3+$0x0] =	vst.idx.msk $0xffff, v16  }
0xef: {  	v16 =	vld [tilespmem:s18+$0x6E80];
	_ =	sdelay $0x4  }
0xf0: {  	[tilespmem:v13+s3+$0x0] =	vst.idx.msk $0xffff, v16  }
0xf1: {  	v16 =	vld [tilespmem:s18+$0x6F00];
	_ =	sdelay $0x4  }
0xf2: {  	[tilespmem:v14+s3+$0x0] =	vst.idx.msk $0xffff, v16  }
.Ltmp6:
0xf3: {  	v16 =	vld [tilespmem:s18+$0x6F80];
	(pc) =	sbr.rel @p2 .LBB2_6-.Ltmp6, $3  }
0xf4: {  	_ =	sdelay $0x1  }
0xf5: {  	s15 =	sadd.s32 $0x80, s15  }
0xf6: {  	s17 =	sadd.s32 $0x10, s17;
	s16 =	sand.u32 $0x1C00, s15;
	s18 =	sand.u32 $0x70, s11  }
0xf7: {  	_ =	sdelay $0x3  }
0xf8: {  	s16 =	sor.u32 s18, s16;
	[tilespmem:v15+s3+$0x0] =	vst.idx.msk $0xffff, v16  }
0xf9: {  	v16 =	vld [tilespmem:s16+$0x4800];
	_ =	sdelay $0x3  }
0xfa: {  	s18 =	sadd.s32 $0x100, s3  }
0xfb: {  	[tilespmem:v0+s18+$0x0] =	vst.idx.msk $0xffff, v16  }
0xfc: {  	v16 =	vld [tilespmem:s16+$0x4880];
	_ =	sdelay $0x4  }
0xfd: {  	[tilespmem:v1+s18+$0x0] =	vst.idx.msk $0xffff, v16  }
0xfe: {  	v16 =	vld [tilespmem:s16+$0x4900];
	_ =	sdelay $0x4  }
0xff: {  	[tilespmem:v2+s18+$0x0] =	vst.idx.msk $0xffff, v16  }
0x100: {  	v16 =	vld [tilespmem:s16+$0x4980];
	_ =	sdelay $0x4  }
0x101: {  	[tilespmem:v3+s18+$0x0] =	vst.idx.msk $0xffff, v16  }
0x102: {  	v16 =	vld [tilespmem:s16+$0x4A00];
	_ =	sdelay $0x4  }
0x103: {  	[tilespmem:v4+s18+$0x0] =	vst.idx.msk $0xffff, v16  }
0x104: {  	v16 =	vld [tilespmem:s16+$0x4A80];
	_ =	sdelay $0x4  }
0x105: {  	[tilespmem:v5+s18+$0x0] =	vst.idx.msk $0xffff, v16  }
0x106: {  	v16 =	vld [tilespmem:s16+$0x4B00];
	_ =	sdelay $0x3  }
0x107: {  	s11 =	sor.u32 s15, s11  }
0x108: {  	s11 =	sor.u32 $0x380, s11;
	[tilespmem:v6+s18+$0x0] =	vst.idx.msk $0xffff, v16  }
0x109: {  	v16 =	vld [tilespmem:s11+$0x4800];
	_ =	sdelay $0x4  }
0x10a: {  	[tilespmem:v7+s18+$0x0] =	vst.idx.msk $0xffff, v16  }
0x10b: {  	v16 =	vld [tilespmem:s16+$0x6C00];
	_ =	sdelay $0x4  }
0x10c: {  	[tilespmem:v8+s18+$0x0] =	vst.idx.msk $0xffff, v16  }
0x10d: {  	v16 =	vld [tilespmem:s16+$0x6C80];
	_ =	sdelay $0x4  }
0x10e: {  	[tilespmem:v9+s18+$0x0] =	vst.idx.msk $0xffff, v16  }
0x10f: {  	v16 =	vld [tilespmem:s16+$0x6D00];
	_ =	sdelay $0x4  }
0x110: {  	[tilespmem:v10+s18+$0x0] =	vst.idx.msk $0xffff, v16  }
0x111: {  	v16 =	vld [tilespmem:s16+$0x6D80];
	_ =	sdelay $0x4  }
0x112: {  	[tilespmem:v11+s18+$0x0] =	vst.idx.msk $0xffff, v16  }
0x113: {  	v16 =	vld [tilespmem:s16+$0x6E00];
	_ =	sdelay $0x4  }
0x114: {  	[tilespmem:v12+s18+$0x0] =	vst.idx.msk $0xffff, v16  }
0x115: {  	v16 =	vld [tilespmem:s16+$0x6E80];
	_ =	sdelay $0x4  }
0x116: {  	[tilespmem:v13+s18+$0x0] =	vst.idx.msk $0xffff, v16  }
0x117: {  	v16 =	vld [tilespmem:s16+$0x6F00];
	_ =	sdelay $0x4  }
0x118: {  	[tilespmem:v14+s18+$0x0] =	vst.idx.msk $0xffff, v16  }
0x119: {  	v16 =	vld [tilespmem:s16+$0x6F80];
	_ =	sdelay $0x1  }
.Ltmp7:
0x11a: {  	_ = 	snop;
	(pc) =	sbr.rel .LBB2_8-.Ltmp7, $4  }
0x11b: {  	_ = 	snop  }
0x11c: {  	s2 =	sshll.u32 s2, $0xB  }
0x11d: {  	s2 =	sadd.s32 s6, s2;
	[tilespmem:v15+s18+$0x0] =	vst.idx.msk $0xffff, v16  }
0x11e: {  	[hbm4b:s2+s4] =	stream.linear.scatter [tilespmem:s22], [sflag:$0x4], $0x4000, $0x38;
	[tilespmem:$0x11000] =	vst v63  }
.LBB2_9:
.Ltmp8:
0x11f: {  	(pc) =	sbr.rel @!p0 .LBB2_10-.Ltmp8, $4  }
0x120: {  	_ = 	snop  }
0x121: {  	_ =	swait.ge [sflag:s23], $0x4000  }
0x122: {  	[sflag:s23] =	ssyncset.done $0x0  }
0x123: {  	[sflag:s23] =	ssyncadd.s32 $0xFFFFC000  }
.Ltmp9:
0x124: {  	(pc) =	sbr.rel @p1 .LBB2_13-.Ltmp9, $1  }
0x125: {  	_ =	sdelay $0x3  }
0x126: {  	s0 =	rddreg [dreg:$0x1]  }
0x127: {  	[tilespmem:s4], [sflag:$0x5] =	stream.linear.gather [hbm4b:s0+s4], $0x400, $0x38;
	[tilespmem:$0x11000] =	vst v63  }
0x128: {  	s18 =	rddreg [dreg:$0x5];
	s2 =	simm.s32 $0x2400  }
0x129: {  	[tilespmem:s2], [sflag:$0x5] =	stream.linear.gather [hbm4b:s18+s4], $0x400, $0x38;
	[tilespmem:$0x11000] =	vst v63  }
0x12a: {  	_ =	swait.ge [sflag:s25], $0x800  }
0x12b: {  	[sflag:s25] =	ssyncset.done $0x0  }
0x12c: {  	[sflag:s25] =	ssyncadd.s32 $0xFFFFF800  }
0x12d: {  	v16 =	vld [tilespmem:$0x0];
	_ =	sdelay $0x4  }
0x12e: {  	[tilespmem:v0+s20+$0x0] =	vst.idx.msk $0xffff, v16  }
0x12f: {  	v16 =	vld [tilespmem:$0x80];
	_ =	sdelay $0x4  }
0x130: {  	[tilespmem:v1+s20+$0x0] =	vst.idx.msk $0xffff, v16  }
0x131: {  	v16 =	vld [tilespmem:$0x100];
	_ =	sdelay $0x4  }
0x132: {  	[tilespmem:v2+s20+$0x0] =	vst.idx.msk $0xffff, v16  }
0x133: {  	v16 =	vld [tilespmem:$0x180];
	_ =	sdelay $0x4  }
0x134: {  	[tilespmem:v3+s20+$0x0] =	vst.idx.msk $0xffff, v16  }
0x135: {  	v16 =	vld [tilespmem:$0x200];
	_ =	sdelay $0x4  }
0x136: {  	[tilespmem:v4+s20+$0x0] =	vst.idx.msk $0xffff, v16  }
0x137: {  	v16 =	vld [tilespmem:$0x280];
	_ =	sdelay $0x4  }
0x138: {  	[tilespmem:v5+s20+$0x0] =	vst.idx.msk $0xffff, v16  }
0x139: {  	v16 =	vld [tilespmem:$0x300];
	_ =	sdelay $0x4  }
0x13a: {  	[tilespmem:v6+s20+$0x0] =	vst.idx.msk $0xffff, v16  }
0x13b: {  	v16 =	vld [tilespmem:$0x380];
	_ =	sdelay $0x4  }
0x13c: {  	[tilespmem:v7+s20+$0x0] =	vst.idx.msk $0xffff, v16  }
0x13d: {  	v16 =	vld [tilespmem:$0x2400];
	_ =	sdelay $0x4  }
0x13e: {  	[tilespmem:v8+s20+$0x0] =	vst.idx.msk $0xffff, v16  }
0x13f: {  	v16 =	vld [tilespmem:$0x2480];
	_ =	sdelay $0x4  }
0x140: {  	[tilespmem:v9+s20+$0x0] =	vst.idx.msk $0xffff, v16  }
0x141: {  	v16 =	vld [tilespmem:$0x2500];
	_ =	sdelay $0x4  }
0x142: {  	[tilespmem:v10+s20+$0x0] =	vst.idx.msk $0xffff, v16  }
0x143: {  	v16 =	vld [tilespmem:$0x2580];
	_ =	sdelay $0x4  }
0x144: {  	[tilespmem:v11+s20+$0x0] =	vst.idx.msk $0xffff, v16  }
0x145: {  	v16 =	vld [tilespmem:$0x2600];
	_ =	sdelay $0x4  }
0x146: {  	[tilespmem:v12+s20+$0x0] =	vst.idx.msk $0xffff, v16  }
0x147: {  	v16 =	vld [tilespmem:$0x2680];
	_ =	sdelay $0x4  }
0x148: {  	[tilespmem:v13+s20+$0x0] =	vst.idx.msk $0xffff, v16  }
0x149: {  	v16 =	vld [tilespmem:$0x2700];
	_ =	sdelay $0x4  }
0x14a: {  	[tilespmem:v14+s20+$0x0] =	vst.idx.msk $0xffff, v16  }
0x14b: {  	v16 =	vld [tilespmem:$0x2780];
	_ =	sdelay $0x4  }
0x14c: {  	[tilespmem:v15+s20+$0x0] =	vst.idx.msk $0xffff, v16  }
0x14d: {  	v16 =	vld [tilespmem:$0x10];
	_ =	sdelay $0x4  }
0x14e: {  	[tilespmem:v0+s26+$0x0] =	vst.idx.msk $0xffff, v16  }
0x14f: {  	v16 =	vld [tilespmem:$0x90];
	_ =	sdelay $0x4  }
0x150: {  	[tilespmem:v1+s26+$0x0] =	vst.idx.msk $0xffff, v16  }
0x151: {  	v16 =	vld [tilespmem:$0x110];
	_ =	sdelay $0x4  }
0x152: {  	[tilespmem:v2+s26+$0x0] =	vst.idx.msk $0xffff, v16  }
0x153: {  	v16 =	vld [tilespmem:$0x190];
	_ =	sdelay $0x4  }
0x154: {  	[tilespmem:v3+s26+$0x0] =	vst.idx.msk $0xffff, v16  }
0x155: {  	v16 =	vld [tilespmem:$0x210];
	_ =	sdelay $0x4  }
0x156: {  	[tilespmem:v4+s26+$0x0] =	vst.idx.msk $0xffff, v16  }
0x157: {  	v16 =	vld [tilespmem:$0x290];
	_ =	sdelay $0x4  }
0x158: {  	[tilespmem:v5+s26+$0x0] =	vst.idx.msk $0xffff, v16  }
0x159: {  	v16 =	vld [tilespmem:$0x310];
	_ =	sdelay $0x4  }
0x15a: {  	[tilespmem:v6+s26+$0x0] =	vst.idx.msk $0xffff, v16  }
0x15b: {  	v16 =	vld [tilespmem:$0x390];
	_ =	sdelay $0x4  }
0x15c: {  	[tilespmem:v7+s26+$0x0] =	vst.idx.msk $0xffff, v16  }
0x15d: {  	v16 =	vld [tilespmem:$0x2410];
	_ =	sdelay $0x4  }
0x15e: {  	[tilespmem:v8+s26+$0x0] =	vst.idx.msk $0xffff, v16  }
0x15f: {  	v16 =	vld [tilespmem:$0x2490];
	_ =	sdelay $0x4  }
0x160: {  	[tilespmem:v9+s26+$0x0] =	vst.idx.msk $0xffff, v16  }
0x161: {  	v16 =	vld [tilespmem:$0x2510];
	_ =	sdelay $0x4  }
0x162: {  	[tilespmem:v10+s26+$0x0] =	vst.idx.msk $0xffff, v16  }
0x163: {  	v16 =	vld [tilespmem:$0x2590];
	_ =	sdelay $0x4  }
0x164: {  	[tilespmem:v11+s26+$0x0] =	vst.idx.msk $0xffff, v16  }
0x165: {  	v16 =	vld [tilespmem:$0x2610];
	_ =	sdelay $0x4  }
0x166: {  	[tilespmem:v12+s26+$0x0] =	vst.idx.msk $0xffff, v16  }
0x167: {  	v16 =	vld [tilespmem:$0x2690];
	_ =	sdelay $0x4  }
0x168: {  	[tilespmem:v13+s26+$0x0] =	vst.idx.msk $0xffff, v16  }
0x169: {  	v16 =	vld [tilespmem:$0x2710];
	_ =	sdelay $0x4  }
0x16a: {  	[tilespmem:v14+s26+$0x0] =	vst.idx.msk $0xffff, v16  }
0x16b: {  	v16 =	vld [tilespmem:$0x2790];
	_ =	sdelay $0x4  }
0x16c: {  	[tilespmem:v15+s26+$0x0] =	vst.idx.msk $0xffff, v16  }
0x16d: {  	v16 =	vld [tilespmem:$0x20];
	_ =	sdelay $0x4  }
0x16e: {  	[tilespmem:v0+s28+$0x0] =	vst.idx.msk $0xffff, v16  }
0x16f: {  	v16 =	vld [tilespmem:$0xA0];
	_ =	sdelay $0x4  }
0x170: {  	[tilespmem:v1+s28+$0x0] =	vst.idx.msk $0xffff, v16  }
0x171: {  	v16 =	vld [tilespmem:$0x120];
	_ =	sdelay $0x4  }
0x172: {  	[tilespmem:v2+s28+$0x0] =	vst.idx.msk $0xffff, v16  }
0x173: {  	v16 =	vld [tilespmem:$0x1A0];
	_ =	sdelay $0x4  }
0x174: {  	[tilespmem:v3+s28+$0x0] =	vst.idx.msk $0xffff, v16  }
0x175: {  	v16 =	vld [tilespmem:$0x220];
	_ =	sdelay $0x4  }
0x176: {  	[tilespmem:v4+s28+$0x0] =	vst.idx.msk $0xffff, v16  }
0x177: {  	v16 =	vld [tilespmem:$0x2A0];
	_ =	sdelay $0x4  }
0x178: {  	[tilespmem:v5+s28+$0x0] =	vst.idx.msk $0xffff, v16  }
0x179: {  	v16 =	vld [tilespmem:$0x320];
	_ =	sdelay $0x4  }
0x17a: {  	[tilespmem:v6+s28+$0x0] =	vst.idx.msk $0xffff, v16  }
0x17b: {  	v16 =	vld [tilespmem:$0x3A0];
	_ =	sdelay $0x4  }
0x17c: {  	[tilespmem:v7+s28+$0x0] =	vst.idx.msk $0xffff, v16  }
0x17d: {  	v16 =	vld [tilespmem:$0x2420];
	_ =	sdelay $0x4  }
0x17e: {  	[tilespmem:v8+s28+$0x0] =	vst.idx.msk $0xffff, v16  }
0x17f: {  	v16 =	vld [tilespmem:$0x24A0];
	_ =	sdelay $0x4  }
0x180: {  	[tilespmem:v9+s28+$0x0] =	vst.idx.msk $0xffff, v16  }
0x181: {  	v16 =	vld [tilespmem:$0x2520];
	_ =	sdelay $0x4  }
0x182: {  	[tilespmem:v10+s28+$0x0] =	vst.idx.msk $0xffff, v16  }
0x183: {  	v16 =	vld [tilespmem:$0x25A0];
	_ =	sdelay $0x4  }
0x184: {  	[tilespmem:v11+s28+$0x0] =	vst.idx.msk $0xffff, v16  }
0x185: {  	v16 =	vld [tilespmem:$0x2620];
	_ =	sdelay $0x4  }
0x186: {  	[tilespmem:v12+s28+$0x0] =	vst.idx.msk $0xffff, v16  }
0x187: {  	v16 =	vld [tilespmem:$0x26A0];
	_ =	sdelay $0x4  }
0x188: {  	[tilespmem:v13+s28+$0x0] =	vst.idx.msk $0xffff, v16  }
0x189: {  	v16 =	vld [tilespmem:$0x2720];
	_ =	sdelay $0x4  }
0x18a: {  	[tilespmem:v14+s28+$0x0] =	vst.idx.msk $0xffff, v16  }
0x18b: {  	v16 =	vld [tilespmem:$0x27A0];
	_ =	sdelay $0x4  }
0x18c: {  	[tilespmem:v15+s28+$0x0] =	vst.idx.msk $0xffff, v16  }
0x18d: {  	v16 =	vld [tilespmem:$0x30];
	_ =	sdelay $0x4  }
0x18e: {  	[tilespmem:v0+s29+$0x0] =	vst.idx.msk $0xffff, v16  }
0x18f: {  	v16 =	vld [tilespmem:$0xB0];
	_ =	sdelay $0x4  }
0x190: {  	[tilespmem:v1+s29+$0x0] =	vst.idx.msk $0xffff, v16  }
0x191: {  	v16 =	vld [tilespmem:$0x130];
	_ =	sdelay $0x4  }
0x192: {  	[tilespmem:v2+s29+$0x0] =	vst.idx.msk $0xffff, v16  }
0x193: {  	v16 =	vld [tilespmem:$0x1B0];
	_ =	sdelay $0x4  }
0x194: {  	[tilespmem:v3+s29+$0x0] =	vst.idx.msk $0xffff, v16  }
0x195: {  	v16 =	vld [tilespmem:$0x230];
	_ =	sdelay $0x4  }
0x196: {  	[tilespmem:v4+s29+$0x0] =	vst.idx.msk $0xffff, v16  }
0x197: {  	v16 =	vld [tilespmem:$0x2B0];
	_ =	sdelay $0x4  }
0x198: {  	[tilespmem:v5+s29+$0x0] =	vst.idx.msk $0xffff, v16  }
0x199: {  	v16 =	vld [tilespmem:$0x330];
	_ =	sdelay $0x4  }
0x19a: {  	[tilespmem:v6+s29+$0x0] =	vst.idx.msk $0xffff, v16  }
0x19b: {  	v16 =	vld [tilespmem:$0x3B0];
	_ =	sdelay $0x4  }
0x19c: {  	[tilespmem:v7+s29+$0x0] =	vst.idx.msk $0xffff, v16  }
0x19d: {  	v16 =	vld [tilespmem:$0x2430];
	_ =	sdelay $0x4  }
0x19e: {  	[tilespmem:v8+s29+$0x0] =	vst.idx.msk $0xffff, v16  }
0x19f: {  	v16 =	vld [tilespmem:$0x24B0];
	_ =	sdelay $0x4  }
0x1a0: {  	[tilespmem:v9+s29+$0x0] =	vst.idx.msk $0xffff, v16  }
0x1a1: {  	v16 =	vld [tilespmem:$0x2530];
	_ =	sdelay $0x4  }
0x1a2: {  	[tilespmem:v10+s29+$0x0] =	vst.idx.msk $0xffff, v16  }
0x1a3: {  	v16 =	vld [tilespmem:$0x25B0];
	_ =	sdelay $0x4  }
0x1a4: {  	[tilespmem:v11+s29+$0x0] =	vst.idx.msk $0xffff, v16  }
0x1a5: {  	v16 =	vld [tilespmem:$0x2630];
	_ =	sdelay $0x4  }
0x1a6: {  	[tilespmem:v12+s29+$0x0] =	vst.idx.msk $0xffff, v16  }
0x1a7: {  	v16 =	vld [tilespmem:$0x26B0];
	_ =	sdelay $0x4  }
0x1a8: {  	[tilespmem:v13+s29+$0x0] =	vst.idx.msk $0xffff, v16  }
0x1a9: {  	v16 =	vld [tilespmem:$0x2730];
	_ =	sdelay $0x4  }
0x1aa: {  	[tilespmem:v14+s29+$0x0] =	vst.idx.msk $0xffff, v16  }
0x1ab: {  	v16 =	vld [tilespmem:$0x27B0];
	_ =	sdelay $0x4  }
.Ltmp10:
0x1ac: {  	s31 =	rddreg [dreg:$0x4];
	[tilespmem:v15+s29+$0x0] =	vst.idx.msk $0xffff, v16;
	(pc) =	sbr.rel .LBB2_13-.Ltmp10, $4  }
0x1ad: {  	[hbm4b:s31+s4] =	stream.linear.scatter [tilespmem:s20], [sflag:$0x5], $0x400, $0x38;
	[tilespmem:$0x11000] =	vst v63  }
0x1ae: {  	_ =	swait.ge [sflag:s25], $0x400  }
0x1af: {  	[sflag:s25] =	ssyncset.done $0x0  }
0x1b0: {  	[sflag:s25] =	ssyncadd.s32 $0xFFFFFC00  }
.LBB2_14:
0x1b1: {  	_ =	sfence.sel $0x180000  }
0x1b2: {  	[bflag:$0x0] =	sbarrier.arrive $0xFFFF  }
0x1b3: {  	_ =	strace $0x90000047  }
0x1b4: {  	s0 =	stileid.u32;
	[bflag:$0x2] =	sbarrier.arrive $0xFFFF  }
0x1b5: {  	p0 =	sne.s32 s0, $0x0;
	s0 =	rddreg [dreg:$0x3]  }
0x1b6: {  	s0 =	sadd.s32 @!p0 $0x100000, s0  }
0x1b7: {  	[sflag:s0] =	ssyncadd.tile.s32 @!p0 $0x1;
	_ =	shalt  }
.Lfunc_end2:
_tile_overlayer_lowered:
.L_overlay_start_2:
0x1b8: {  	(tag) =	ssettag $0x2  }
0x1b9: {  	s0 =	rddreg [dreg:$0x0];
	s2 =	stileid.u32  }
0x1ba: {  	s1 =	rddreg [dreg:$0x1];
	p0 =	sne.s32 s2, $0x0  }
0x1bb: {  	s3 =	rddreg [dreg:$0x2];
	[bflag:$0x3] =	sbarrier.arrive $0xFFFF;
	s2 =	simm.s32 @!p0 $0x1C05  }
0x1bc: {  	[timem:s3], [sflag:s2] =	dma.local @!p0 [hbm:s0], s1  }
0x1bd: {  	s0 =	simm.s32 @!p0 $0x5  }
0x1be: {  	_ =	swait.ge @!p0 [sflag:s0], s1  }
0x1bf: {  	s1 =	ssub.s32 @!p0 $0x0, s1;
	[sflag:s0] =	ssyncset.done @!p0 $0x0  }
0x1c0: {  	[sflag:s0] =	ssyncadd.s32 @!p0 s1  }
0x1c1: {  	[bflag:$0x3] =	sbarrier.arrive $0xFFFF  }
0x1c2: {  	_ =	shalt  }

// kernel: kernel.8.cloned.1.call-start
scs
__scs_entry_jumppad:
0x0: {  	(pc) =	sbr.rel $0x88, $3  }
0x1: {  	(tag) =	ssettag $0x0;
	lr =	simm.s32 $0x1  }
0x2: {  	[smem:$0x3F9E] =	sst lr;
	_ =	strace $0xD0000000  }
0x3: {  	_ = 	snop  }
0x4: {  	_ = 	snop  }
0x5: {  	_ = 	snop  }
0x6: {  	_ = 	snop  }
0x7: {  	_ = 	snop  }
__scs_overlays_trampoline_lowered:
0x8: {  	[smem:$0x3FAD] =	sst s0  }
0x9: {  	[smem:$0x3FAE] =	sst s1  }
0xa: {  	[smem:$0x3FAF] =	sst s2  }
0xb: {  	[smem:$0x3FB0] =	sst s3  }
0xc: {  	[smem:$0x3FB1] =	sst s4  }
0xd: {  	[smem:$0x3FB2] =	sst s5  }
0xe: {  	[smem:$0x3FB3] =	sst s6  }
0xf: {  	[smem:$0x3FB4] =	sst s7  }
0x10: {  	[smem:$0x3FB5] =	sst s8  }
0x11: {  	[smem:$0x3FB6] =	sst s9;
	s0 =	simm.s32 @!p0 $0x0  }
0x12: {  	s1 =	sld [smem:$0x3F9C];
	s0 =	simm.s32 @p0 $0x1  }
0x13: {  	[smem:$0x3FB7] =	sst s0;
	s0 =	simm.s32 @!p1 $0x0  }
0x14: {  	s2 =	sld [smem:$0x3F9B];
	s0 =	simm.s32 @p1 $0x1  }
0x15: {  	[smem:$0x3FB8] =	sst s0;
	s0 =	simm.s32 @!p2 $0x0  }
0x16: {  	s3 =	sld [smem:$0x3FDB];
	s0 =	simm.s32 @p2 $0x1  }
0x17: {  	s4 =	simm.s32 $0x1BF5;
	[smem:$0x3FBA] =	sst s0  }
0x18: {  	s0 =	sld [smem:$0x3F9D];
	_ =	swait.ge [sflag:s4], $0x0  }
0x19: {  	s7 =	sld [smem:$0x3F9E]  }
0x1a: {  	s8 =	sadd.s32 $0xFFFFE003, lr  }
0x1b: {  	s9 =	sadd.s32 $0xFFFFFEF7, lr;
	s5 =	simm.s32 $0xFFFFFFFF;
	p2 =	slt.u32 s8, $0xFFFFF086  }
0x1c: {  	p1 =	slt.u32 s9, $0xF7A;
	s5 =	simm.s32 @!p2 $0x0  }
0x1d: {  	s5 =	simm.s32 @p1 $0x1;
	p0 =	seq.s32 s7, s2  }
0x1e: {  	s7 =	smul.u32 @!p0 $0xF7A, s2;
	p2 =	seq.s32 @!p0 s5, $0x0  }
0x1f: {  	s9 =	smul.u32 $0xF7A, s1;
	s8 =	simm.s32 @!p0 $0x1BF5;
	p2 =	por !p2, p0  }
0x20: {  	[sflag:s8] =	ssyncset.s32 @!p0 $0xFFFFF086;
	s6 =	sadd.s32 @!p0 s3, s7;
	s7 =	simm.s32 @!p0 $0x108  }
0x21: {  	s3 =	sadd.s32 s3, s9;
	s6 =	sadd.s32 @!p0 $0x88, s6;
	s7 =	simm.s32 @p2 $0x1082  }
0x22: {  	[simem:s7], [sflag:s8] =	dma.local @!p0 [hbm:s6], $0xF7A  }
0x23: {  	s9 =	sor.u32 $0xD0000000, s2;
	s6 =	simm.s32 $0x108;
	_ =	swait.ge @!p0 [sflag:s8], $0x0  }
0x24: {  	s3 =	sadd.s32 $0x88, s3;
	s6 =	simm.s32 @!p1 $0x1082;
	[sflag:s4] =	ssyncset.s32 $0xFFFFF086  }
0x25: {  	[simem:s6], [sflag:s4] =	dma.local [hbm:s3], $0xF7A  }
0x26: {  	[smem:$0x3F9E] =	sst s1;
	(tag) =	ssettag s2;
	_ =	strace s9  }
0x27: {  	s1 =	sld [smem:$0x3FAE]  }
0x28: {  	s2 =	sld [smem:$0x3FAF]  }
0x29: {  	s4 =	sld [smem:$0x3FB1]  }
0x2a: {  	p0 =	seq.s32 s5, $0x0;
	s5 =	sld [smem:$0x3FB2]  }
0x2b: {  	s6 =	sld [smem:$0x3FB3]  }
0x2c: {  	s7 =	sld [smem:$0x3FB4]  }
0x2d: {  	s3 =	simm.s32 $0x108;
	s8 =	sld [smem:$0x3FB5]  }
0x2e: {  	s3 =	simm.s32 @!p0 $0x1082;
	s9 =	sld [smem:$0x3FB6]  }
0x2f: {  	lr =	sadd.s32 s0, s3;
	s0 =	sld [smem:$0x3FAD]  }
0x30: {  	s3 =	sld [smem:$0x3FB0]  }
0x31: {  	[smem:$0x3FB9] =	sst s10  }
0x32: {  	s10 =	sld [smem:$0x3FB7];
	_ =	sdelay $0x3  }
0x33: {  	p0 =	seq.s32 s10, $0x1;
	s10 =	sld [smem:$0x3FB9];
	_ =	sdelay $0x3  }
0x34: {  	[smem:$0x3FB9] =	sst s10  }
0x35: {  	s10 =	sld [smem:$0x3FB8];
	_ =	sdelay $0x3  }
0x36: {  	p1 =	seq.s32 s10, $0x1;
	s10 =	sld [smem:$0x3FB9];
	_ =	sdelay $0x3  }
0x37: {  	[smem:$0x3FB9] =	sst s10  }
0x38: {  	s10 =	sld [smem:$0x3FBA]  }
0x39: {  	_ = 	snop;
	(pc) =	sbr.ind lr, $3  }
0x3a: {  	_ = 	snop  }
0x3b: {  	_ = 	snop  }
0x3c: {  	p2 =	seq.s32 s10, $0x1;
	s10 =	sld [smem:$0x3FB9]  }
0x3d: {  	_ =	shalt  }
0x3e: {  	_ =	shalt  }
0x3f: {  	_ =	shalt  }
0x40: {  	_ =	shalt  }
0x41: {  	_ =	shalt  }
0x42: {  	_ =	shalt  }
0x43: {  	_ =	shalt  }
0x44: {  	_ =	shalt  }
0x45: {  	_ =	shalt  }
0x46: {  	_ =	shalt  }
0x47: {  	_ =	shalt  }
0x48: {  	_ =	shalt  }
0x49: {  	_ =	shalt  }
0x4a: {  	_ =	shalt  }
0x4b: {  	_ =	shalt  }
0x4c: {  	_ =	shalt  }
0x4d: {  	_ =	shalt  }
0x4e: {  	_ =	shalt  }
0x4f: {  	_ =	shalt  }
0x50: {  	_ =	shalt  }
0x51: {  	_ =	shalt  }
0x52: {  	_ =	shalt  }
0x53: {  	_ =	shalt  }
0x54: {  	_ =	shalt  }
0x55: {  	_ =	shalt  }
0x56: {  	_ =	shalt  }
0x57: {  	_ =	shalt  }
0x58: {  	_ =	shalt  }
0x59: {  	_ =	shalt  }
0x5a: {  	_ =	shalt  }
0x5b: {  	_ =	shalt  }
0x5c: {  	_ =	shalt  }
0x5d: {  	_ =	shalt  }
0x5e: {  	_ =	shalt  }
0x5f: {  	_ =	shalt  }
0x60: {  	_ =	shalt  }
0x61: {  	_ =	shalt  }
0x62: {  	_ =	shalt  }
0x63: {  	_ =	shalt  }
0x64: {  	_ =	shalt  }
0x65: {  	_ =	shalt  }
0x66: {  	_ =	shalt  }
0x67: {  	_ =	shalt  }
0x68: {  	_ =	shalt  }
0x69: {  	_ =	shalt  }
0x6a: {  	_ =	shalt  }
0x6b: {  	_ =	shalt  }
0x6c: {  	_ =	shalt  }
0x6d: {  	_ =	shalt  }
0x6e: {  	_ =	shalt  }
0x6f: {  	_ =	shalt  }
0x70: {  	_ =	shalt  }
0x71: {  	_ =	shalt  }
0x72: {  	_ =	shalt  }
0x73: {  	_ =	shalt  }
0x74: {  	_ =	shalt  }
0x75: {  	_ =	shalt  }
0x76: {  	_ =	shalt  }
0x77: {  	_ =	shalt  }
0x78: {  	_ =	shalt  }
0x79: {  	_ =	shalt  }
0x7a: {  	_ =	shalt  }
0x7b: {  	_ =	shalt  }
0x7c: {  	_ =	shalt  }
0x7d: {  	_ =	shalt  }
0x7e: {  	_ =	shalt  }
0x7f: {  	_ =	shalt  }
0x80: {  	_ =	shalt  }
0x81: {  	_ =	shalt  }
0x82: {  	_ =	shalt  }
0x83: {  	_ =	shalt  }
0x84: {  	_ =	shalt  }
0x85: {  	_ =	shalt  }
0x86: {  	_ =	shalt  }
0x87: {  	_ =	shalt  }
.Lfunc_end0:
.L_simem_size_0:
called_computation.1_lowered:
.L_overlay_start_0:
0x88: {  	s2 =	sld [smem:$0x3FD9]  }
0x89: {  	s3 =	sld [smem:$0x3FFE];
	_ =	sdelay $0x1  }
0x8a: {  	s1 =	srdreg.scid  }
0x8b: {  	s0 =	sand.u32 $0x1, s1  }
0x8c: {  	s16 =	sshll.u32 s0, $0xA;
	s2 =	sadd.s32 s3, s2  }
0x8d: {  	s2 =	sadd.s32 s2, s16  }
0x8e: {  	[smem:$0x3FC5] =	sst s2  }
0x8f: {  	_ = 	snop  }
0x90: {  	(tm) =	ssettm $0x1  }
0x91: {  	s17 =	sld [smem:$0x3FFB];
	_ =	sdelay $0x3  }
0x92: {  	_ =	strace s17  }
0x93: {  	s2 =	sld [smem:$0x3FFC];
	_ =	sdelay $0x3  }
0x94: {  	_ =	strace s2  }
0x95: {  	s2 =	sld [smem:$0x3FFD];
	_ =	sdelay $0x3  }
0x96: {  	_ =	strace s2  }
0x97: {  	_ =	strace $0x8FFFFFFF  }
0x98: {  	s18 =	sld [smem:$0x3FDB];
	_ =	sdelay $0x1  }
0x99: {  	s19 =	simm.s32 $_scs_section_size  }
0x9a: {  	s4 =	simm.s32 $_size__tile_overlayer_lowered;
	s5 =	simm.s32 $_tile_overlayer_lowered  }
0x9b: {  	s22 =	simm.s32 $0x1BFF;
	s21 =	sshll.u32 s5, $0x1;
	s2 =	sadd.s32 s19, s18  }
0x9c: {  	s6 =	simm.s32 $0x0;
	s20 =	sshll.u32 s4, $0x1;
	s4 =	sadd.s32 s21, s2  }
0x9d: {  	[timem:s6], [sflag:s22] =	dma.local [hbm:s4], s20  }
0x9e: {  	_ =	swait.ge [sflag:s22], s20  }
0x9f: {  	s3 =	ssub.s32 $0x0, s20;
	[sflag:s22] =	ssyncset.done $0x0  }
0xa0: {  	[sflag:s22] =	ssyncadd.s32 s3;
	_ =	sdelay $0x1  }
0xa1: {  	s23 =	simm.s32 $0x1B8B  }
0xa2: {  	_ =	swait.ge [sflag:s23], $0x1  }
0xa3: {  	[sflag:s23] =	ssyncset.done $0x0  }
0xa4: {  	s25 =	simm.s32 $0x1B8E;
	s24 =	sld [smem:$0x3FFE];
	[sflag:s23] =	ssyncadd.s32 $0xFFFFFFFF  }
0xa5: {  	s26 =	simm.s32 $execute0_lowered;
	[smem:$0x3FD2] =	sst s25  }
0xa6: {  	s4 =	sshll.u32 s26, $0x1;
	_ =	strace $0x80000049;
	[dreg:$0x1] =	wrdreg $0xFFFFFFFF  }
0xa7: {  	s28 =	simm.s32 $_size_execute0_lowered;
	s2 =	sadd.s32 s2, s4;
	[dreg:$0x0] =	wrdreg $0x0  }
0xa8: {  	s4 =	sshll.u32 s28, $0x1;
	[dreg:$0x2] =	wrdreg s2  }
0xa9: {  	[dreg:$0x3] =	wrdreg s4  }
0xaa: {  	[dreg:$0x4] =	wrdreg $0xC0  }
0xab: {  	_ =	task [dreg:s6], $0x5FFFF  }
0xac: {  	[dreg:$0x1] =	wrdreg $0xFFFFFFFF  }
0xad: {  	[dreg:$0x0] =	wrdreg $0x60  }
0xae: {  	[dreg:$0x2] =	wrdreg s24  }
0xaf: {  	[dreg:$0x3] =	wrdreg $0x9  }
0xb0: {  	_ =	task.clear_ibuf [dreg:s6], $0x4FFFF;
	_ =	strace $0x90000049  }
0xb1: {  	s29 =	simm.s32 $0x9;
	_ =	strace $0x8000004B  }
0xb2: {  	_ =	swait.ge [sflag:s29], $0x1  }
0xb3: {  	[sflag:s29] =	ssyncadd.s32 $0xFFFFFFFF  }
0xb4: {  	_ =	strace $0x9000004B  }
0xb5: {  	_ =	sfence  }
0xb6: {  	s30 =	sld [smem:$0x0];
	_ =	sdelay $0x2  }
0xb7: {  	s31 =	sshll.u32 s1, $0xD;
	s1 =	sshrl.u32 s1, $0x2  }
0xb8: {  	s3 =	sand.u32 $0x4000, s31;
	s1 =	sadd.s32 s1, s30  }
0xb9: {  	s0 =	sor.u32 s3, s0;
	s1 =	sshll.u32 s1, $0x11  }
0xba: {  	s0 =	sor.u32 s1, s0  }
0xbb: {  	s0 =	sadd.s32 $0x8F2B, s0  }
0xbc: {  	[sflag:s0] =	ssyncadd.remote.s32 $0x1  }
0xbd: {  	_ =	sfence.sel $0xFFFF  }
0xbe: {  	[dreg:$0x0] =	wrdreg $0xFFFFFFFF;
	(pc) =	sbr.abs _section_cstart, $3  }
0xbf: {  	[dreg:$0x1] =	wrdreg $0xFFFFFFFF  }
0xc0: {  	_ =	task.clear_ibuf [dreg:s6], $0x2FFFF;
	_ =	strace $0x9FFFFFFF  }
0xc1: {  	(tm) =	ssettm $0x7FFFFFFF  }
tec
execute0_lowered:
.L_overlay_start_1:
0x0: {  	(tag) =	ssettag $0x1  }
0x1: {  	s0 =	srdreg.scid  }
0x2: {  	s1 =	stileid.u32;
	s2 =	rddreg [dreg:$0x0]  }
0x3: {  	s6 =	simm.s32 $0x0;
	s10 =	simm.s32 $0x2;
	s8 =	simm.s32 $0x80  }
0x4: {  	s14 =	simm.s32 $0x5C00;
	s15 =	simm.s32 $0x6400;
	s16 =	simm.s32 $0x6C00  }
0x5: {  	s17 =	simm.s32 $0x7400;
	s18 =	simm.s32 $0x7C00;
	s19 =	simm.s32 $0x8400  }
0x6: {  	s20 =	simm.s32 $0x8C00;
	s21 =	simm.s32 $0x9400;
	s22 =	simm.s32 $0x9C00  }
0x7: {  	s23 =	simm.s32 $0xA400;
	s24 =	simm.s32 $0xAC00;
	s25 =	simm.s32 $0xB400  }
0x8: {  	s28 =	simm.s32 $0xC400;
	s29 =	simm.s32 $0xCC00;
	s30 =	simm.s32 $0xD400  }
0x9: {  	s31 =	simm.s32 $0xDC00;
	s0 =	sand.u32 $0x1, s0;
	s1 =	sshll.u32 s1, $0x1  }
0xa: {  	s9 =	simm.s32 $0x0;
	[smem:$0x7FF] =	sst s6;
	s1 =	sor.u32 s0, s1  }
0xb: {  	s0 =	ssub.s32 $0x2, s0;
	s3 =	smul.u32 $0x680, s1;
	s1 =	sshll.u32 s1, $0xA  }
0xc: {  	_ =	strace $0x8000004A;
	s5 =	sshrl.u32 s0, $0x1;
	s1 =	sadd.s32 s1, s2  }
0xd: {  	s0 =	ssub.s32 s0, s5;
	s5 =	simm.s32 $0x1;
	s4 =	sadd.s32 s3, s2  }
0xe: {  	s3 =	sadd.s32 $0x1000, s2;
	s1 =	sadd.s32 $0x503A00, s1;
	s0 =	smax.u32 s0, $0x1  }
0xf: {  	s2 =	simm.s32 $0xF400;
	s26 =	sadd.s32 $0x4F6A00, s4;
	[dreg:$0x3] =	wrdreg s1  }
0x10: {  	[dreg:$0x4] =	wrdreg s0;
	s1 =	simm.s32 $0xE400;
	s0 =	simm.s32 $0xEC00  }
0x11: {  	v0 =	vlaneseq.u32;
	s4 =	simm.s32 $0xFC00;
	[dreg:$0x2] =	wrdreg s26;
	s26 =	simm.s32 $0xBC00  }
.LBB2_1:
0x12: {  	[dreg:$0x5] =	wrdreg s9;
	s9 =	simm.s32 $0x20  }
0x13: {  	s11 =	simm.s32 $0x30;
	v5 =	vor.u32 s9, v0  }
0x14: {  	s7 =	rddreg [dreg:$0x2];
	s12 =	simm.s32 $0x0;
	s13 =	simm.s32 $0x50;
	v1 =	vor.u32 s11, v0;
	v2 =	vmulhi.u32 $0x4EC4EC4F, v5  }
0x15: {  	[tilespmem:s6], [sflag:$0x2] =	stream.linear.gather [hbm4b:s7+s6], $0x3400, $0x38;
	v7 =	vor.u32 s13, v0;
	v9 =	vmulhi.u32 $0x4EC4EC4F, v1;
	[tilespmem:$0x12400] =	vst v63  }
0x16: {  	s7 =	simm.s32 $0x40;
	v8 =	vor.u32 s12, v0;
	v11 =	vmulhi.u32 $0x4EC4EC4F, v7  }
0x17: {  	s11 =	simm.s32 $0x60;
	v3 =	vor.u32 s7, v0;
	v13 =	vmulhi.u32 $0x4EC4EC4F, v8  }
0x18: {  	s13 =	simm.s32 $0x70;
	v4 =	vor.u32 s11, v0;
	v6 =	vmulhi.u32 $0x4EC4EC4F, v3  }
0x19: {  	v14 =	vor.u32 s13, v0;
	v12 =	vmulhi.u32 $0x4EC4EC4F, v4  }
0x1a: {  	s12 =	simm.s32 $0x10;
	_ =	swait.ge [sflag:s10], $0x3400;
	v15 =	vmulhi.u32 $0x4EC4EC4F, v14  }
0x1b: {  	[sflag:s10] =	ssyncset.done $0x0;
	v10 =	vshrl.u32 v2, $0x3;
	v2 =	vor.u32 s12, v0;
	v11 =	vshrl.u32 v11, $0x3  }
0x1c: {  	s6 =	simm.s32 $0x40;
	[sflag:s10] =	ssyncadd.s32 $0xFFFFCC00;
	v9 =	vshrl.u32 v9, $0x3;
	v13 =	vshrl.u32 v13, $0x3;
	v10 =	vmul.u32 $0x1A, v10  }
0x1d: {  	v6 =	vshrl.u32 v6, $0x3;
	v12 =	vshrl.u32 v12, $0x3;
	v16 =	vmulhi.u32 $0x4EC4EC4F, v2;
	v17 =	vld [tilespmem:s6+$0x30]  }
0x1e: {  	v11 =	vmul.u32 $0x1A, v11;
	v18 =	vld [tilespmem:s6+$0xFFFFFFC0];
	v15 =	vshrl.u32 v15, $0x3;
	v6 =	vmul.u32 $0x1A, v6  }
0x1f: {  	v19 =	vld [tilespmem:s6+$0x10];
	v5 =	vsub.s32 v5, v10;
	v10 =	vmul.u32 $0x1A, v13;
	v13 =	vmul.u32 $0x1A, v15  }
0x20: {  	v11 =	vsub.s32 v7, v11;
	v15 =	vshrl.u32 v16, $0x3;
	v7 =	vmul.u32 $0x186A0, v5  }
0x21: {  	v6 =	vsub.s32 v3, v6;
	v5 =	vsub.s32 v8, v10;
	v8 =	vsub.s32 v14, v13  }
0x22: {  	v3 =	vld [tilespmem:s6+$0xFFFFFFF0];
	v10 =	vmul.u32 $0x186A0, v11;
	v13 =	vmul.u32 $0x186A0, v5;
	v14 =	vmul.u32 $0x186A0, v8  }
0x23: {  	v12 =	vmul.u32 $0x1A, v12;
	v11 =	vmul.u32 $0x1A, v15;
	v5 =	vld [tilespmem:s6+$0xFFFFFFE0];
	v8 =	vmul.u32 $0x186A0, v6  }
0x24: {  	s9 =	simm.s32 $0xC0;
	s7 =	simm.s32 $0xF0;
	v6 =	vld [tilespmem:s6+$0x20];
	v10 =	vadd.s32 v10, v19;
	v13 =	vadd.s32 v13, v18;
	v14 =	vadd.s32 v14, v17  }
.LBB2_2:
0x25: {  	s10 =	sadd.s32 $0xFFFFFF90, s7  }
0x26: {  	s11 =	sadd.s32 $0xFFFFFFA0, s7;
	s12 =	sadd.s32 $0xFFFFFFB0, s7;
	v15 =	vld [tilespmem:s9+$0xFFFFFFF0];
	v11 =	vsub.s32 v2, v11;
	v9 =	vmul.u32 $0x1A, v9;
	v4 =	vsub.s32 v4, v12;
	[tilespmem:s6+$0x30] =	vst v14;
	s13 =	smov.u32 s7  }
0x27: {  	v12 =	vor.u32 s10, v0;
	v2 =	vor.u32 s11, v0;
	v14 =	vor.u32 s12, v0;
	s10 =	sadd.s32 $0xFFFFFFC0, s7;
	s11 =	sadd.s32 $0xFFFFFFD0, s7;
	s12 =	sadd.s32 $0xFFFFFFE0, s7;
	[tilespmem:s6+$0xFFFFFFC0] =	vst v13;
	v13 =	vld [tilespmem:s6+$0xFFFFFFD0]  }
0x28: {  	p0 =	sne.s32 s7, $0x33F0;
	s7 =	sadd.s32 $0x80, s7;
	v19 =	vmul.u32 $0x186A0, v4;
	v16 =	vor.u32 s10, v0;
	v17 =	vor.u32 s11, v0;
	s10 =	sadd.s32 $0xFFFFFFF0, s13;
	v18 =	vld [tilespmem:s6+$0x0]  }
0x29: {  	v20 =	vor.u32 s12, v0;
	v9 =	vsub.s32 v1, v9;
	v4 =	vor.u32 s10, v0;
	v1 =	vmovc v16  }
0x2a: {  	v11 =	vmul.u32 $0x186A0, v11;
	v16 =	vmulhi.u32 $0x4EC4EC4F, v17;
	v9 =	vmul.u32 $0x186A0, v9  }
0x2b: {  	v5 =	vadd.s32 v7, v5;
	v21 =	vmulhi.u32 $0x4EC4EC4F, v14;
	v6 =	vadd.s32 v19, v6;
	[tilespmem:s6+$0x10] =	vst v10  }
0x2c: {  	v7 =	vmulhi.u32 $0x4EC4EC4F, v1;
	v9 =	vadd.s32 v9, v3;
	v3 =	vmovc v15;
	v10 =	vadd.s32 v11, v13;
	[tilespmem:s6+$0xFFFFFFE0] =	vst v5  }
0x2d: {  	v11 =	vshrl.u32 v21, $0x3;
	v13 =	vmulhi.u32 $0x4EC4EC4F, v20;
	v5 =	vld [tilespmem:s9+$0xFFFFFFE0];
	v8 =	vadd.s32 v8, v18;
	[tilespmem:s6+$0x20] =	vst v6  }
0x2e: {  	v15 =	vshrl.u32 v16, $0x3;
	v16 =	vmulhi.u32 $0x4EC4EC4F, v4;
	v11 =	vmul.u32 $0x1A, v11;
	v6 =	vld [tilespmem:s9+$0x20];
	[tilespmem:s6+$0x0] =	vst v8  }
0x2f: {  	v18 =	vor.u32 s13, v0;
	v8 =	vmulhi.u32 $0x4EC4EC4F, v12;
	v13 =	vshrl.u32 v13, $0x3;
	[tilespmem:s6+$0xFFFFFFF0] =	vst v9  }
0x30: {  	v15 =	vmul.u32 $0x1A, v15;
	v16 =	vshrl.u32 v16, $0x3;
	v19 =	vmulhi.u32 $0x4EC4EC4F, v18;
	[tilespmem:s6+$0xFFFFFFD0] =	vst v10;
	s6 =	smov.u32 s9  }
0x31: {  	v9 =	vshrl.u32 v7, $0x3;
	v7 =	vmul.u32 $0x1A, v13;
	v10 =	vmulhi.u32 $0x4EC4EC4F, v2;
	v21 =	vld [tilespmem:s9+$0x30]  }
0x32: {  	v11 =	vsub.s32 v14, v11;
	v8 =	vshrl.u32 v8, $0x3;
	v14 =	vshrl.u32 v19, $0x3;
	v13 =	vld [tilespmem:s9+$0xFFFFFFC0]  }
0x33: {  	v8 =	vmul.u32 $0x1A, v8;
	v19 =	vsub.s32 v20, v7;
	v14 =	vmul.u32 $0x1A, v14;
	v20 =	vld [tilespmem:s9+$0x10]  }
.Ltmp0:
0x34: {  	v15 =	vsub.s32 v17, v15;
	v7 =	vmul.u32 $0x186A0, v11;
	v10 =	vshrl.u32 v10, $0x3;
	(pc) =	sbr.rel @p0 .LBB2_2-.Ltmp0, $4  }
0x35: {  	v17 =	vmul.u32 $0x186A0, v19;
	v8 =	vsub.s32 v12, v8;
	v11 =	vsub.s32 v18, v14  }
0x36: {  	v12 =	vmul.u32 $0x1A, v16;
	v14 =	vmul.u32 $0x186A0, v8;
	v16 =	vmul.u32 $0x186A0, v11  }
0x37: {  	v11 =	vmul.u32 $0x1A, v10;
	v8 =	vmul.u32 $0x186A0, v15  }
0x38: {  	s9 =	sadd.s32 $0x80, s9;
	v13 =	vadd.s32 v14, v13;
	v14 =	vadd.s32 v16, v21;
	v10 =	vadd.s32 v17, v20  }
0x39: {  	v61 =	vld [tilespmem:s6+$0x0]  }
0x3a: {  	[tilespmem:s6+$0x30] =	vst v14;
	v9 =	vmul.u32 $0x1A, v9;
	v4 =	vsub.s32 v4, v12  }
0x3b: {  	[tilespmem:s6+$0xFFFFFFC0] =	vst v13;
	v62 =	vld [tilespmem:s6+$0xFFFFFFD0];
	v4 =	vmul.u32 $0x186A0, v4  }
0x3c: {  	v5 =	vadd.s32 v7, v5;
	[tilespmem:s6+$0x10] =	vst v10;
	v1 =	vsub.s32 v1, v9  }
0x3d: {  	v2 =	vsub.s32 v2, v11;
	[tilespmem:s6+$0xFFFFFFE0] =	vst v5;
	v1 =	vmul.u32 $0x186A0, v1;
	v4 =	vadd.s32 v4, v6  }
0x3e: {  	v2 =	vmul.u32 $0x186A0, v2;
	[tilespmem:s6+$0x20] =	vst v4;
	v63 =	vadd.s32 v8, v61  }
0x3f: {  	v1 =	vadd.s32 v1, v3;
	[tilespmem:s6+$0x0] =	vst v63  }
0x40: {  	v2 =	vadd.s32 v2, v62;
	[tilespmem:s6+$0xFFFFFFF0] =	vst v1  }
0x41: {  	s7 =	simm.s32 $0x0;
	s13 =	simm.s32 $0x3400;
	[tilespmem:s6+$0xFFFFFFD0] =	vst v2;
	s6 =	simm.s32 $0x10400  }
.LBB2_4:
0x42: {  	s9 =	smul.u32 $0x3400, s7;
	_ =	sdelay $0x1  }
0x43: {  	s9 =	sshra.s32 s9, $0x2  }
0x44: {  	[tilespmem:s13], [sflag:$0x1] =	stream.indirect.gather [hbm4b:s3+s8], $0x10, s9, s8, $0xb8;
	[tilespmem:$0x12400] =	vst v63  }
0x45: {  	s11 =	simm.s32 $0x3C00;
	s10 =	sor.u32 $0x80, s9  }
0x46: {  	[tilespmem:s11], [sflag:$0x1] =	stream.indirect.gather [hbm4b:s3+s8], $0x10, s10, s8, $0xb8;
	[tilespmem:$0x12400] =	vst v63  }
0x47: {  	s12 =	simm.s32 $0x4400;
	s11 =	sadd.s32 $0x100, s9  }
0x48: {  	[tilespmem:s12], [sflag:$0x1] =	stream.indirect.gather [hbm4b:s3+s8], $0x10, s11, s8, $0xb8;
	[tilespmem:$0x12400] =	vst v63  }
0x49: {  	s11 =	sadd.s32 $0x180, s9;
	s12 =	simm.s32 $0x4C00  }
0x4a: {  	[tilespmem:s12], [sflag:$0x1] =	stream.indirect.gather [hbm4b:s3+s8], $0x10, s11, s8, $0xb8;
	[tilespmem:$0x12400] =	vst v63  }
0x4b: {  	s11 =	sadd.s32 $0x200, s9;
	s12 =	simm.s32 $0x5400  }
0x4c: {  	[tilespmem:s12], [sflag:$0x1] =	stream.indirect.gather [hbm4b:s3+s8], $0x10, s11, s8, $0xb8;
	[tilespmem:$0x12400] =	vst v63  }
0x4d: {  	s11 =	sadd.s32 $0x280, s9  }
0x4e: {  	[tilespmem:s14], [sflag:$0x1] =	stream.indirect.gather [hbm4b:s3+s8], $0x10, s11, s8, $0xb8;
	[tilespmem:$0x12400] =	vst v63  }
0x4f: {  	s12 =	sadd.s32 $0x300, s9  }
0x50: {  	[tilespmem:s15], [sflag:$0x1] =	stream.indirect.gather [hbm4b:s3+s8], $0x10, s12, s8, $0xb8;
	[tilespmem:$0x12400] =	vst v63  }
0x51: {  	s11 =	sadd.s32 $0x380, s9  }
0x52: {  	[tilespmem:s16], [sflag:$0x1] =	stream.indirect.gather [hbm4b:s3+s8], $0x10, s11, s8, $0xb8;
	[tilespmem:$0x12400] =	vst v63  }
0x53: {  	s12 =	sadd.s32 $0x400, s9  }
0x54: {  	[tilespmem:s17], [sflag:$0x1] =	stream.indirect.gather [hbm4b:s3+s8], $0x10, s12, s8, $0xb8;
	[tilespmem:$0x12400] =	vst v63  }
0x55: {  	s11 =	sadd.s32 $0x480, s9  }
0x56: {  	[tilespmem:s18], [sflag:$0x1] =	stream.indirect.gather [hbm4b:s3+s8], $0x10, s11, s8, $0xb8;
	[tilespmem:$0x12400] =	vst v63  }
0x57: {  	s12 =	sadd.s32 $0x500, s9  }
0x58: {  	[tilespmem:s19], [sflag:$0x1] =	stream.indirect.gather [hbm4b:s3+s8], $0x10, s12, s8, $0xb8;
	[tilespmem:$0x12400] =	vst v63  }
0x59: {  	s11 =	sadd.s32 $0x580, s9  }
0x5a: {  	[tilespmem:s20], [sflag:$0x1] =	stream.indirect.gather [hbm4b:s3+s8], $0x10, s11, s8, $0xb8;
	[tilespmem:$0x12400] =	vst v63  }
0x5b: {  	s12 =	sadd.s32 $0x600, s9  }
0x5c: {  	[tilespmem:s21], [sflag:$0x1] =	stream.indirect.gather [hbm4b:s3+s8], $0x10, s12, s8, $0xb8;
	[tilespmem:$0x12400] =	vst v63  }
0x5d: {  	s11 =	sadd.s32 $0x680, s9  }
0x5e: {  	[tilespmem:s22], [sflag:$0x1] =	stream.indirect.gather [hbm4b:s3+s8], $0x10, s11, s8, $0xb8;
	[tilespmem:$0x12400] =	vst v63  }
0x5f: {  	s12 =	sadd.s32 $0x700, s9  }
0x60: {  	[tilespmem:s23], [sflag:$0x1] =	stream.indirect.gather [hbm4b:s3+s8], $0x10, s12, s8, $0xb8;
	[tilespmem:$0x12400] =	vst v63  }
0x61: {  	s11 =	sadd.s32 $0x780, s9  }
0x62: {  	[tilespmem:s24], [sflag:$0x1] =	stream.indirect.gather [hbm4b:s3+s8], $0x10, s11, s8, $0xb8;
	[tilespmem:$0x12400] =	vst v63  }
0x63: {  	s12 =	sadd.s32 $0x800, s9  }
0x64: {  	[tilespmem:s25], [sflag:$0x1] =	stream.indirect.gather [hbm4b:s3+s8], $0x10, s12, s8, $0xb8;
	[tilespmem:$0x12400] =	vst v63  }
0x65: {  	s11 =	sadd.s32 $0x880, s9  }
0x66: {  	[tilespmem:s26], [sflag:$0x1] =	stream.indirect.gather [hbm4b:s3+s8], $0x10, s11, s8, $0xb8;
	[tilespmem:$0x12400] =	vst v63  }
0x67: {  	s12 =	sadd.s32 $0x900, s9  }
0x68: {  	[tilespmem:s28], [sflag:$0x1] =	stream.indirect.gather [hbm4b:s3+s8], $0x10, s12, s8, $0xb8;
	[tilespmem:$0x12400] =	vst v63  }
0x69: {  	s11 =	sadd.s32 $0x980, s9  }
0x6a: {  	[tilespmem:s29], [sflag:$0x1] =	stream.indirect.gather [hbm4b:s3+s8], $0x10, s11, s8, $0xb8;
	[tilespmem:$0x12400] =	vst v63  }
0x6b: {  	s12 =	sadd.s32 $0xA00, s9  }
0x6c: {  	[tilespmem:s30], [sflag:$0x1] =	stream.indirect.gather [hbm4b:s3+s8], $0x10, s12, s8, $0xb8;
	[tilespmem:$0x12400] =	vst v63  }
0x6d: {  	s11 =	sadd.s32 $0xA80, s9  }
0x6e: {  	[tilespmem:s31], [sflag:$0x1] =	stream.indirect.gather [hbm4b:s3+s8], $0x10, s11, s8, $0xb8;
	[tilespmem:$0x12400] =	vst v63  }
0x6f: {  	s12 =	sadd.s32 $0xB00, s9  }
0x70: {  	[tilespmem:s1], [sflag:$0x1] =	stream.indirect.gather [hbm4b:s3+s8], $0x10, s12, s8, $0xb8;
	[tilespmem:$0x12400] =	vst v63  }
0x71: {  	s11 =	sadd.s32 $0xB80, s9  }
0x72: {  	[tilespmem:s0], [sflag:$0x1] =	stream.indirect.gather [hbm4b:s3+s8], $0x10, s11, s8, $0xb8;
	[tilespmem:$0x12400] =	vst v63  }
0x73: {  	s12 =	sadd.s32 $0xC00, s9  }
0x74: {  	[tilespmem:s2], [sflag:$0x1] =	stream.indirect.gather [hbm4b:s3+s8], $0x10, s12, s8, $0xb8;
	[tilespmem:$0x12400] =	vst v63  }
0x75: {  	s9 =	sadd.s32 $0xC80, s9  }
0x76: {  	[tilespmem:s4], [sflag:$0x1] =	stream.indirect.gather [hbm4b:s3+s8], $0x10, s9, s8, $0xb8;
	[tilespmem:$0x12400] =	vst v63  }
0x77: {  	_ =	swait.ge [sflag:s5], $0x800  }
0x78: {  	[sflag:s5] =	ssyncset.done $0x0  }
0x79: {  	[sflag:s5] =	ssyncadd.s32 $0xFFFFF800  }
0x7a: {  	_ =	swait.ge [sflag:s5], $0x800  }
0x7b: {  	[sflag:s5] =	ssyncset.done $0x0  }
0x7c: {  	[sflag:s5] =	ssyncadd.s32 $0xFFFFF800  }
0x7d: {  	_ =	swait.ge [sflag:s5], $0x800  }
0x7e: {  	[sflag:s5] =	ssyncset.done $0x0  }
0x7f: {  	[sflag:s5] =	ssyncadd.s32 $0xFFFFF800  }
0x80: {  	_ =	swait.ge [sflag:s5], $0x800  }
0x81: {  	[sflag:s5] =	ssyncset.done $0x0  }
0x82: {  	[sflag:s5] =	ssyncadd.s32 $0xFFFFF800  }
0x83: {  	_ =	swait.ge [sflag:s5], $0x800  }
0x84: {  	[sflag:s5] =	ssyncset.done $0x0  }
0x85: {  	[sflag:s5] =	ssyncadd.s32 $0xFFFFF800  }
0x86: {  	_ =	swait.ge [sflag:s5], $0x800  }
0x87: {  	[sflag:s5] =	ssyncset.done $0x0  }
0x88: {  	[sflag:s5] =	ssyncadd.s32 $0xFFFFF800  }
0x89: {  	_ =	swait.ge [sflag:s5], $0x800  }
0x8a: {  	[sflag:s5] =	ssyncset.done $0x0  }
0x8b: {  	[sflag:s5] =	ssyncadd.s32 $0xFFFFF800  }
0x8c: {  	_ =	swait.ge [sflag:s5], $0x800  }
0x8d: {  	[sflag:s5] =	ssyncset.done $0x0  }
0x8e: {  	[sflag:s5] =	ssyncadd.s32 $0xFFFFF800  }
0x8f: {  	_ =	swait.ge [sflag:s5], $0x800  }
0x90: {  	[sflag:s5] =	ssyncset.done $0x0  }
0x91: {  	[sflag:s5] =	ssyncadd.s32 $0xFFFFF800  }
0x92: {  	_ =	swait.ge [sflag:s5], $0x800  }
0x93: {  	[sflag:s5] =	ssyncset.done $0x0  }
0x94: {  	[sflag:s5] =	ssyncadd.s32 $0xFFFFF800  }
0x95: {  	_ =	swait.ge [sflag:s5], $0x800  }
0x96: {  	[sflag:s5] =	ssyncset.done $0x0  }
0x97: {  	[sflag:s5] =	ssyncadd.s32 $0xFFFFF800  }
0x98: {  	_ =	swait.ge [sflag:s5], $0x800  }
0x99: {  	[sflag:s5] =	ssyncset.done $0x0  }
0x9a: {  	[sflag:s5] =	ssyncadd.s32 $0xFFFFF800  }
0x9b: {  	_ =	swait.ge [sflag:s5], $0x800  }
0x9c: {  	[sflag:s5] =	ssyncset.done $0x0  }
0x9d: {  	[sflag:s5] =	ssyncadd.s32 $0xFFFFF800  }
0x9e: {  	_ =	swait.ge [sflag:s5], $0x800  }
0x9f: {  	[sflag:s5] =	ssyncset.done $0x0  }
0xa0: {  	[sflag:s5] =	ssyncadd.s32 $0xFFFFF800  }
0xa1: {  	_ =	swait.ge [sflag:s5], $0x800  }
0xa2: {  	[sflag:s5] =	ssyncset.done $0x0  }
0xa3: {  	[sflag:s5] =	ssyncadd.s32 $0xFFFFF800  }
0xa4: {  	_ =	swait.ge [sflag:s5], $0x800  }
0xa5: {  	[sflag:s5] =	ssyncset.done $0x0  }
0xa6: {  	[sflag:s5] =	ssyncadd.s32 $0xFFFFF800  }
0xa7: {  	_ =	swait.ge [sflag:s5], $0x800  }
0xa8: {  	[sflag:s5] =	ssyncset.done $0x0  }
0xa9: {  	[sflag:s5] =	ssyncadd.s32 $0xFFFFF800  }
0xaa: {  	_ =	swait.ge [sflag:s5], $0x800  }
0xab: {  	[sflag:s5] =	ssyncset.done $0x0  }
0xac: {  	[sflag:s5] =	ssyncadd.s32 $0xFFFFF800  }
0xad: {  	_ =	swait.ge [sflag:s5], $0x800  }
0xae: {  	[sflag:s5] =	ssyncset.done $0x0  }
0xaf: {  	[sflag:s5] =	ssyncadd.s32 $0xFFFFF800  }
0xb0: {  	_ =	swait.ge [sflag:s5], $0x800  }
0xb1: {  	[sflag:s5] =	ssyncset.done $0x0  }
0xb2: {  	[sflag:s5] =	ssyncadd.s32 $0xFFFFF800  }
0xb3: {  	_ =	swait.ge [sflag:s5], $0x800  }
0xb4: {  	[sflag:s5] =	ssyncset.done $0x0  }
0xb5: {  	[sflag:s5] =	ssyncadd.s32 $0xFFFFF800  }
0xb6: {  	_ =	swait.ge [sflag:s5], $0x800  }
0xb7: {  	[sflag:s5] =	ssyncset.done $0x0  }
0xb8: {  	[sflag:s5] =	ssyncadd.s32 $0xFFFFF800  }
0xb9: {  	_ =	swait.ge [sflag:s5], $0x800  }
0xba: {  	[sflag:s5] =	ssyncset.done $0x0  }
0xbb: {  	[sflag:s5] =	ssyncadd.s32 $0xFFFFF800  }
0xbc: {  	_ =	swait.ge [sflag:s5], $0x800  }
0xbd: {  	[sflag:s5] =	ssyncset.done $0x0  }
0xbe: {  	[sflag:s5] =	ssyncadd.s32 $0xFFFFF800  }
0xbf: {  	_ =	swait.ge [sflag:s5], $0x800  }
0xc0: {  	[sflag:s5] =	ssyncset.done $0x0  }
0xc1: {  	[sflag:s5] =	ssyncadd.s32 $0xFFFFF800  }
0xc2: {  	_ =	swait.ge [sflag:s5], $0x800  }
0xc3: {  	[sflag:s5] =	ssyncset.done $0x0  }
0xc4: {  	s10 =	simm.s32 $0x34D0;
	[sflag:s5] =	ssyncadd.s32 $0xFFFFF800  }
0xc5: {  	v2 =	vld [tilespmem:s10+$0xFFFFFF30]  }
0xc6: {  	v1 =	vmov s6;
	s11 =	simm.s32 $0x40;
	s9 =	simm.s32 $0x0;
	v3 =	vld [tilespmem:s10+$0xFFFFFF40]  }
.LBB2_5:
0xc7: {  	p0 =	sne.s32 s11, $0x1FC0  }
0xc8: {  	v4 =	vld [tilespmem:s10+$0xFFFFFF50];
	_ =	sdelay $0x1  }
0xc9: {  	v5 =	vld [tilespmem:s10+$0xFFFFFF60]  }
0xca: {  	v6 =	vmul.f32 v2, v2;
	v2 =	vadd.f32 v3, v2;
	v3 =	vmul.f32 v3, v3  }
0xcb: {  	v7 =	vld [tilespmem:s10+$0xFFFFFF70]  }
0xcc: {  	v3 =	vadd.f32 v3, v6;
	v2 =	vadd.f32 v4, v2;
	v4 =	vmul.f32 v4, v4  }
0xcd: {  	v6 =	vld [tilespmem:s10+$0xFFFFFF80]  }
0xce: {  	v3 =	vadd.f32 v4, v3;
	v2 =	vadd.f32 v5, v2;
	v4 =	vmul.f32 v5, v5  }
0xcf: {  	v5 =	vld [tilespmem:s10+$0xFFFFFF90]  }
0xd0: {  	v3 =	vadd.f32 v4, v3;
	v2 =	vadd.f32 v7, v2;
	v4 =	vmul.f32 v7, v7  }
0xd1: {  	v7 =	vld [tilespmem:s10+$0xFFFFFFA0]  }
0xd2: {  	v3 =	vadd.f32 v4, v3;
	v2 =	vadd.f32 v6, v2;
	v4 =	vmul.f32 v6, v6  }
0xd3: {  	v6 =	vld [tilespmem:s10+$0xFFFFFFB0]  }
0xd4: {  	v3 =	vadd.f32 v4, v3;
	v2 =	vadd.f32 v5, v2;
	v4 =	vmul.f32 v5, v5  }
0xd5: {  	v5 =	vld [tilespmem:s10+$0xFFFFFFC0]  }
0xd6: {  	v3 =	vadd.f32 v4, v3;
	v2 =	vadd.f32 v7, v2;
	v4 =	vmul.f32 v7, v7  }
0xd7: {  	v7 =	vld [tilespmem:s10+$0xFFFFFFD0]  }
0xd8: {  	v3 =	vadd.f32 v4, v3;
	v2 =	vadd.f32 v6, v2;
	v4 =	vmul.f32 v6, v6  }
0xd9: {  	v6 =	vld [tilespmem:s10+$0xFFFFFFE0]  }
0xda: {  	v3 =	vadd.f32 v4, v3;
	v2 =	vadd.f32 v5, v2;
	v4 =	vmul.f32 v5, v5  }
0xdb: {  	v5 =	vld [tilespmem:s10+$0xFFFFFFF0]  }
0xdc: {  	v3 =	vadd.f32 v4, v3;
	v2 =	vadd.f32 v7, v2;
	v4 =	vmul.f32 v7, v7  }
0xdd: {  	v7 =	vld [tilespmem:s10+$0x0]  }
0xde: {  	v3 =	vadd.f32 v4, v3;
	v2 =	vadd.f32 v6, v2;
	v4 =	vmul.f32 v6, v6  }
0xdf: {  	v6 =	vld [tilespmem:s10+$0x10]  }
0xe0: {  	v3 =	vadd.f32 v4, v3;
	v2 =	vadd.f32 v5, v2;
	v4 =	vmul.f32 v5, v5  }
0xe1: {  	v5 =	vld [tilespmem:s10+$0x20]  }
0xe2: {  	v3 =	vadd.f32 v4, v3;
	v2 =	vadd.f32 v7, v2;
	v4 =	vmul.f32 v7, v7  }
0xe3: {  	v7 =	vld [tilespmem:s10+$0x30]  }
0xe4: {  	v3 =	vadd.f32 v4, v3;
	v2 =	vadd.f32 v6, v2;
	v4 =	vmul.f32 v6, v6  }
0xe5: {  	v6 =	vld [tilespmem:s10+$0x40]  }
0xe6: {  	v3 =	vadd.f32 v4, v3;
	v2 =	vadd.f32 v5, v2;
	v4 =	vmul.f32 v5, v5  }
0xe7: {  	v5 =	vld [tilespmem:s10+$0x50]  }
0xe8: {  	v3 =	vadd.f32 v4, v3;
	v2 =	vadd.f32 v7, v2;
	v4 =	vmul.f32 v7, v7  }
0xe9: {  	v7 =	vld [tilespmem:s10+$0x60]  }
0xea: {  	v3 =	vadd.f32 v4, v3;
	v2 =	vadd.f32 v6, v2;
	v4 =	vmul.f32 v6, v6  }
0xeb: {  	v6 =	vld [tilespmem:s10+$0x70]  }
0xec: {  	v3 =	vadd.f32 v4, v3;
	v2 =	vadd.f32 v5, v2;
	v4 =	vmul.f32 v5, v5  }
0xed: {  	v5 =	vld [tilespmem:s10+$0x80]  }
0xee: {  	v3 =	vadd.f32 v4, v3;
	v2 =	vadd.f32 v7, v2;
	v4 =	vmul.f32 v7, v7  }
0xef: {  	v7 =	vld [tilespmem:s10+$0x90]  }
0xf0: {  	v3 =	vadd.f32 v4, v3;
	v2 =	vadd.f32 v6, v2;
	v4 =	vmul.f32 v6, v6  }
0xf1: {  	v6 =	vld [tilespmem:s10+$0xA0]  }
0xf2: {  	v3 =	vadd.f32 v4, v3;
	v2 =	vadd.f32 v5, v2;
	v4 =	vmul.f32 v5, v5  }
0xf3: {  	v5 =	vld [tilespmem:s10+$0xB0]  }
0xf4: {  	v3 =	vadd.f32 v4, v3;
	v2 =	vadd.f32 v7, v2;
	v4 =	vmul.f32 v7, v7  }
0xf5: {  	v7 =	vld [tilespmem:s10+$0xC0]  }
0xf6: {  	v3 =	vadd.f32 v4, v3;
	v2 =	vadd.f32 v6, v2;
	v4 =	vmul.f32 v6, v6;
	_ =	sdelay $0x1  }
0xf7: {  	v3 =	vadd.f32 v4, v3;
	v2 =	vadd.f32 v5, v2;
	v4 =	vmul.f32 v5, v5;
	_ =	sdelay $0x1  }
0xf8: {  	v3 =	vadd.f32 v4, v3;
	v2 =	vadd.f32 v7, v2;
	v4 =	vmul.f32 v7, v7;
	_ =	sdelay $0x1  }
0xf9: {  	v3 =	vadd.f32 v4, v3;
	v2 =	vmul.f32 v2, v2;
	_ =	sdelay $0x1  }
0xfa: {  	v2 =	vsub.f32 v2, v3;
	_ =	sdelay $0x1  }
.Ltmp1:
0xfb: {  	v2 =	vmul.f32 $5.000000000e-01, v2;
	(pc) =	sbr.rel @p0 .LBB2_5-.Ltmp1, $4  }
0xfc: {  	s12 =	sshra.s32 s9, $0x2;
	s9 =	smov.u32 s11  }
0xfd: {  	s10 =	sadd.s32 $0x1A0, s10;
	[tilespmem:v1+s12+$0x0 ss:$0x1] =	vst.idx.msk $0xffff, v2  }
0xfe: {  	v2 =	vld [tilespmem:s10+$0xFFFFFF30]  }
0xff: {  	s11 =	sadd.s32 $0x40, s11;
	v3 =	vld [tilespmem:s10+$0xFFFFFF40]  }
0x100: {  	_ = 	snop  }
0x101: {  	v4 =	vld [tilespmem:s10+$0xFFFFFF50];
	_ =	sdelay $0x1  }
0x102: {  	v5 =	vld [tilespmem:s10+$0xFFFFFF60]  }
0x103: {  	v6 =	vmul.f32 v2, v2;
	v2 =	vadd.f32 v3, v2;
	v3 =	vmul.f32 v3, v3  }
0x104: {  	v7 =	vld [tilespmem:s10+$0xFFFFFF70]  }
0x105: {  	v3 =	vadd.f32 v3, v6;
	v2 =	vadd.f32 v4, v2;
	v4 =	vmul.f32 v4, v4  }
0x106: {  	v20 =	vld [tilespmem:s10+$0xFFFFFF80]  }
0x107: {  	v21 =	vmul.f32 v5, v5;
	v3 =	vadd.f32 v4, v3;
	v2 =	vadd.f32 v5, v2  }
0x108: {  	v22 =	vld [tilespmem:s10+$0xFFFFFF90]  }
0x109: {  	v23 =	vmul.f32 v7, v7;
	v3 =	vadd.f32 v21, v3;
	v2 =	vadd.f32 v7, v2  }
0x10a: {  	v24 =	vld [tilespmem:s10+$0xFFFFFFA0]  }
0x10b: {  	v25 =	vmul.f32 v20, v20;
	v3 =	vadd.f32 v23, v3;
	v2 =	vadd.f32 v20, v2  }
0x10c: {  	v26 =	vld [tilespmem:s10+$0xFFFFFFB0]  }
0x10d: {  	v27 =	vmul.f32 v22, v22;
	v3 =	vadd.f32 v25, v3;
	v2 =	vadd.f32 v22, v2  }
0x10e: {  	v28 =	vld [tilespmem:s10+$0xFFFFFFC0]  }
0x10f: {  	v29 =	vmul.f32 v24, v24;
	v3 =	vadd.f32 v27, v3;
	v2 =	vadd.f32 v24, v2  }
0x110: {  	v30 =	vld [tilespmem:s10+$0xFFFFFFD0]  }
0x111: {  	v31 =	vmul.f32 v26, v26;
	v3 =	vadd.f32 v29, v3;
	v2 =	vadd.f32 v26, v2  }
0x112: {  	v32 =	vld [tilespmem:s10+$0xFFFFFFE0]  }
0x113: {  	v33 =	vmul.f32 v28, v28;
	v3 =	vadd.f32 v31, v3;
	v2 =	vadd.f32 v28, v2  }
0x114: {  	v34 =	vld [tilespmem:s10+$0xFFFFFFF0]  }
0x115: {  	v35 =	vmul.f32 v30, v30;
	v3 =	vadd.f32 v33, v3;
	v2 =	vadd.f32 v30, v2  }
0x116: {  	v36 =	vld [tilespmem:s10+$0x0]  }
0x117: {  	v37 =	vmul.f32 v32, v32;
	v3 =	vadd.f32 v35, v3;
	v2 =	vadd.f32 v32, v2  }
0x118: {  	v38 =	vld [tilespmem:s10+$0x10]  }
0x119: {  	v39 =	vmul.f32 v34, v34;
	v3 =	vadd.f32 v37, v3;
	v2 =	vadd.f32 v34, v2  }
0x11a: {  	v40 =	vld [tilespmem:s10+$0x20]  }
0x11b: {  	v41 =	vmul.f32 v36, v36;
	v3 =	vadd.f32 v39, v3;
	v2 =	vadd.f32 v36, v2  }
0x11c: {  	v42 =	vld [tilespmem:s10+$0x30]  }
0x11d: {  	v43 =	vmul.f32 v38, v38;
	v3 =	vadd.f32 v41, v3;
	v2 =	vadd.f32 v38, v2  }
0x11e: {  	v44 =	vld [tilespmem:s10+$0x40]  }
0x11f: {  	v45 =	vmul.f32 v40, v40;
	v3 =	vadd.f32 v43, v3;
	v2 =	vadd.f32 v40, v2  }
0x120: {  	v46 =	vld [tilespmem:s10+$0x50]  }
0x121: {  	v47 =	vmul.f32 v42, v42;
	v3 =	vadd.f32 v45, v3;
	v2 =	vadd.f32 v42, v2  }
0x122: {  	v48 =	vld [tilespmem:s10+$0x60]  }
0x123: {  	v49 =	vmul.f32 v44, v44;
	v3 =	vadd.f32 v47, v3;
	v2 =	vadd.f32 v44, v2  }
0x124: {  	v50 =	vld [tilespmem:s10+$0x70]  }
0x125: {  	v51 =	vmul.f32 v46, v46;
	v3 =	vadd.f32 v49, v3;
	v2 =	vadd.f32 v46, v2  }
0x126: {  	v52 =	vld [tilespmem:s10+$0x80]  }
0x127: {  	v53 =	vmul.f32 v48, v48;
	v3 =	vadd.f32 v51, v3;
	v2 =	vadd.f32 v48, v2  }
0x128: {  	v54 =	vld [tilespmem:s10+$0x90]  }
0x129: {  	v55 =	vmul.f32 v50, v50;
	v3 =	vadd.f32 v53, v3;
	v2 =	vadd.f32 v50, v2  }
0x12a: {  	v56 =	vld [tilespmem:s10+$0xA0]  }
0x12b: {  	v57 =	vmul.f32 v52, v52;
	v3 =	vadd.f32 v55, v3;
	v2 =	vadd.f32 v52, v2  }
0x12c: {  	v58 =	vld [tilespmem:s10+$0xB0]  }
0x12d: {  	v59 =	vmul.f32 v54, v54;
	v3 =	vadd.f32 v57, v3;
	v2 =	vadd.f32 v54, v2  }
0x12e: {  	v60 =	vld [tilespmem:s10+$0xC0]  }
0x12f: {  	v61 =	vmul.f32 v56, v56;
	v3 =	vadd.f32 v59, v3;
	v2 =	vadd.f32 v56, v2;
	_ =	sdelay $0x1  }
0x130: {  	v62 =	vmul.f32 v58, v58;
	v3 =	vadd.f32 v61, v3;
	v2 =	vadd.f32 v58, v2;
	_ =	sdelay $0x1  }
0x131: {  	v63 =	vmul.f32 v60, v60;
	v3 =	vadd.f32 v62, v3;
	v2 =	vadd.f32 v60, v2;
	_ =	sdelay $0x1  }
0x132: {  	s7 =	sadd.s32 $0x1, s7;
	v3 =	vadd.f32 v63, v3;
	v2 =	vmul.f32 v2, v2  }
0x133: {  	p0 =	sne.s32 s7, $0x4  }
.Ltmp2:
0x134: {  	v2 =	vsub.f32 v2, v3;
	(pc) =	sbr.rel @p0 .LBB2_4-.Ltmp2, $4  }
0x135: {  	_ = 	snop  }
0x136: {  	v2 =	vmul.f32 $5.000000000e-01, v2  }
0x137: {  	s9 =	sshra.s32 s9, $0x2  }
0x138: {  	s6 =	sadd.s32 $0x800, s6;
	[tilespmem:v1+s9+$0x0 ss:$0x1] =	vst.idx.msk $0xffff, v2  }
0x139: {  	s6 =	simm.s32 $0x0  }
0x13a: {  	s7 =	rddreg [dreg:$0x3];
	s9 =	simm.s32 $0x10400;
	s10 =	simm.s32 $0x2  }
0x13b: {  	[hbm4b:s7+s6] =	stream.linear.scatter [tilespmem:s9], [sflag:$0x2], $0x2000, $0x38;
	[tilespmem:$0x12400] =	vst v63  }
0x13c: {  	_ =	swait.ge [sflag:s10], $0x2000  }
0x13d: {  	s12 =	rddreg [dreg:$0x5]  }
0x13e: {  	s13 =	rddreg [dreg:$0x4];
	s9 =	sadd.s32 $0x1, s12  }
0x13f: {  	p0 =	sne.s32 s9, s13  }
.Ltmp3:
0x140: {  	_ = 	snop;
	(pc) =	sbr.rel @p0 .LBB2_1-.Ltmp3, $3  }
0x141: {  	_ =	sdelay $0x1  }
0x142: {  	[sflag:s10] =	ssyncset.done $0x0  }
0x143: {  	[sflag:s10] =	ssyncadd.s32 $0xFFFFE000  }
0x144: {  	_ =	sfence.sel $0x180000  }
0x145: {  	[bflag:$0x0] =	sbarrier.arrive $0xFFFF  }
0x146: {  	_ =	strace $0x9000004A  }
0x147: {  	s0 =	stileid.u32;
	[bflag:$0x2] =	sbarrier.arrive $0xFFFF  }
0x148: {  	p0 =	sne.s32 s0, $0x0;
	s0 =	rddreg [dreg:$0x1]  }
0x149: {  	s0 =	sadd.s32 @!p0 $0x100000, s0  }
0x14a: {  	[sflag:s0] =	ssyncadd.tile.s32 @!p0 $0x1;
	_ =	shalt  }
.Lfunc_end2:
_tile_overlayer_lowered:
.L_overlay_start_2:
0x14b: {  	(tag) =	ssettag $0x2  }
0x14c: {  	s0 =	rddreg [dreg:$0x0];
	s2 =	stileid.u32  }
0x14d: {  	s1 =	rddreg [dreg:$0x1];
	p0 =	sne.s32 s2, $0x0  }
0x14e: {  	s3 =	rddreg [dreg:$0x2];
	[bflag:$0x3] =	sbarrier.arrive $0xFFFF;
	s2 =	simm.s32 @!p0 $0x1C02  }
0x14f: {  	[timem:s3], [sflag:s2] =	dma.local @!p0 [hbm:s0], s1  }
0x150: {  	s0 =	simm.s32 @!p0 $0x2  }
0x151: {  	_ =	swait.ge @!p0 [sflag:s0], s1  }
0x152: {  	s1 =	ssub.s32 @!p0 $0x0, s1;
	[sflag:s0] =	ssyncset.done @!p0 $0x0  }
0x153: {  	[sflag:s0] =	ssyncadd.s32 @!p0 s1  }
0x154: {  	[bflag:$0x3] =	sbarrier.arrive $0xFFFF  }
0x155: {  	_ =	shalt  }

</sc_bundles>
